<compile_context>
chip_gen: v7x
topology: tpu7x:2x2x1
jax: 0.10.2.dev20260603
libtpu: 0.0.44.dev20260713+nightly
codegen_flags: <defaults>
</compile_context>

<pallas_src>
import functools

import jax
import jax.numpy as jnp
from jax import lax
from jax.experimental import pallas as pl
from jax.experimental.pallas import tpu as pltpu
from jax.experimental.pallas import tpu_sc as plsc

NC = 2
NS = 16
NW = NC * NS
CH = 128
ZR = 64
NH = 2

def _mesh():
    return plsc.VectorSubcoreMesh(
        core_axis_name="c", subcore_axis_name="s",
        num_cores=NC, num_subcores=NS,
    )


def _deg_kernel_body(na, q, rows_hbm, zeros_hbm, ones_hbm, deg_hbm,
                     deg_sh, idx_v, ones_v):
    c = lax.axis_index("c")
    s = lax.axis_index("s")
    wid = c * NS + s
    seg = na // NS

    pltpu.sync_copy(zeros_hbm.at[pl.ds(0, seg)], deg_sh.at[pl.ds(s * seg, seg)])
    pltpu.sync_copy(ones_hbm, ones_v)
    pltpu.sync_copy(rows_hbm.at[wid], idx_v)
    plsc.subcore_barrier()

    def body(j, carry):
        pltpu.sync_copy(ones_v, deg_sh.at[idx_v.at[j]], add=True)
        return carry

    lax.fori_loop(0, q, body, 0)
    plsc.subcore_barrier()

    pltpu.sync_copy(deg_sh.at[pl.ds(s * seg, seg)],
                    deg_hbm.at[c, pl.ds(s * seg, seg)])


def _scatter_kernel_body(na, q, scaled_hbm, pidx_hbm, zrows_hbm,
                         acc_hbm, acc_sh, pidx_v, ra, rb, r0, c0, r1, c1,
                         sem_a, sem_b):
    c = lax.axis_index("c")
    s = lax.axis_index("s")
    wid = c * NS + s
    seg = na // NS

    pltpu.sync_copy(zrows_hbm, ra.at[pl.ds(0, ZR)])
    def zbody(b, carry):
        pltpu.sync_copy(ra.at[pl.ds(0, ZR)],
                        acc_sh.at[pl.ds(s * seg + b * ZR, ZR)])
        return carry
    lax.fori_loop(0, seg // ZR, zbody, 0)

    pltpu.sync_copy(pidx_hbm.at[wid], pidx_v)
    plsc.subcore_barrier()

    mask = jnp.int32(0xFFFF)

    def unpack(j, rref, cref):
        for k in range(CH // 16):
            v = pidx_v[pl.ds(j * CH + k * 16, 16)]
            rref[pl.ds(k * 16, 16)] = v & mask
            cref[pl.ds(k * 16, 16)] = lax.shift_right_logical(v, 16)

    def gather(rref, buf, sem):
        pltpu.async_copy(scaled_hbm.at[rref], buf, sem)

    def gwait(rref, buf, sem):
        pltpu.make_async_copy(scaled_hbm.at[rref], buf, sem).wait()

    def scatter(cref, buf):
        pltpu.sync_copy(buf, acc_sh.at[cref], add=True)

    unpack(0, r0, c0)
    gather(r0, ra, sem_a)

    def body(jj, carry):
        j0 = 2 * jj
        unpack(j0 + 1, r1, c1)
        gather(r1, rb, sem_b)
        gwait(r0, ra, sem_a)
        scatter(c0, ra)
        unpack(j0 + 2, r0, c0)
        gather(r0, ra, sem_a)
        gwait(r1, rb, sem_b)
        scatter(c1, rb)
        return carry

    lax.fori_loop(0, q // 2, body, 0)
    gwait(r0, ra, sem_a)
    plsc.subcore_barrier()

    pltpu.sync_copy(acc_sh.at[pl.ds(s * seg, seg)],
                    acc_hbm.at[c, pl.ds(s * seg, seg)])


def _scale_body(lp_ref, deg_ref, out_ref):
    deg = deg_ref[0, :] + deg_ref[1, :] + 1.0
    dis = lax.rsqrt(deg)
    out_ref[...] = lp_ref[...] * dis[:, None]


def _final_body(acc_ref, scaled_ref, deg_ref, out_ref):
    deg = deg_ref[0, :] + deg_ref[1, :] + 1.0
    dis = lax.rsqrt(deg)
    total = acc_ref[0] + acc_ref[1] + scaled_ref[...]
    out_ref[...] = total * dis[:, None]


def kernel(label_mat, edge_index, num_nodes):
    n, cdim = label_mat.shape
    e = edge_index.shape[1]
    del num_nodes

    na = (n + 1 + NS * ZR - 1) // (NS * ZR) * (NS * ZR)
    q = (e + NW * CH - 1) // (NW * CH)
    q = q + (q % 2)
    ep = NW * q * CH

    row = edge_index[0].astype(jnp.int32)
    col = edge_index[1].astype(jnp.int32)
    pad = n + jnp.arange(ep - e, dtype=jnp.int32) % (na - n)
    row_p = jnp.concatenate([row, pad]).reshape(NW, q, CH)
    col_p = jnp.concatenate([col, pad]).reshape(NW, q, CH)
    packed = row_p | (col_p << 16)
    xtra = n + jnp.arange(NW * CH, dtype=jnp.int32) % (na - n)
    xtra = (xtra | (xtra << 16)).reshape(NW, 1, CH)
    pidx = jnp.concatenate([packed, xtra], axis=1).reshape(NW, (q + 1) * CH)
    lp = jnp.concatenate(
        [label_mat, jnp.zeros((na - n, cdim), label_mat.dtype)], axis=0)

    seg = na // NS
    zeros_seg = jnp.zeros((seg,), jnp.float32)
    ones_ch = jnp.ones((CH,), jnp.float32)
    zrows = jnp.zeros((ZR, cdim), jnp.float32)

    k1 = pl.kernel(
        functools.partial(_deg_kernel_body, na, q),
        out_type=jax.ShapeDtypeStruct((NC, na), jnp.float32),
        mesh=_mesh(),
        scratch_types=[
            pltpu.VMEM_SHARED((na,), jnp.float32),
            pltpu.VMEM((q, CH), jnp.int32),
            pltpu.VMEM((CH,), jnp.float32),
        ],
    )
    deg_parts = k1(row_p, zeros_seg, ones_ch)

    nblk = 8
    blk = na // nblk
    k2 = pl.pallas_call(
        _scale_body,
        grid=(nblk,),
        in_specs=[
            pl.BlockSpec((blk, cdim), lambda i: (i, 0)),
            pl.BlockSpec((NC, blk), lambda i: (0, i)),
        ],
        out_specs=pl.BlockSpec((blk, cdim), lambda i: (i, 0)),
        out_shape=jax.ShapeDtypeStruct((na, cdim), jnp.float32),
    )
    scaled = k2(lp, deg_parts)

    k3 = pl.kernel(
        functools.partial(_scatter_kernel_body, na, q),
        out_type=jax.ShapeDtypeStruct((NC, na, cdim), jnp.float32),
        mesh=_mesh(),
        scratch_types=[
            pltpu.VMEM_SHARED((na, cdim), jnp.float32),
            pltpu.VMEM(((q + 1) * CH,), jnp.int32),
            pltpu.VMEM((CH, cdim), jnp.float32),
            pltpu.VMEM((CH, cdim), jnp.float32),
            pltpu.VMEM((CH,), jnp.int32),
            pltpu.VMEM((CH,), jnp.int32),
            pltpu.VMEM((CH,), jnp.int32),
            pltpu.VMEM((CH,), jnp.int32),
            pltpu.SemaphoreType.DMA,
            pltpu.SemaphoreType.DMA,
        ],
    )
    acc_parts = k3(scaled, pidx, zrows)

    k4 = pl.pallas_call(
        _final_body,
        grid=(nblk,),
        in_specs=[
            pl.BlockSpec((NC, blk, cdim), lambda i: (0, i, 0)),
            pl.BlockSpec((blk, cdim), lambda i: (i, 0)),
            pl.BlockSpec((NC, blk), lambda i: (0, i)),
        ],
        out_specs=pl.BlockSpec((blk, cdim), lambda i: (i, 0)),
        out_shape=jax.ShapeDtypeStruct((na, cdim), jnp.float32),
    )
    out_full = k4(acc_parts, scaled, deg_parts)
    return out_full[:n]

# --- scband reference (transcript-rebuilt; emitter-appended) ---
"""Pipeline reference for scband-plpconv-19765439496456 (READ-ONLY COPY).

The authoritative reference and input builder live on the scoring server;
editing this copy changes nothing except your own understanding.
"""

import jax, jax.numpy as jnp
import numpy as np

N = 10000
E = 320000
C = 128

def setup_inputs(seed: int = 0) -> dict:
    key = jax.random.key(seed)
    k1, k2 = jax.random.split(key)
    label_mat = jax.random.uniform(k1, (N, C), dtype=jnp.float32)
    edge_index = jax.random.randint(k2, (2, E), 0, N, dtype=jnp.int64)
    return {"label_mat": label_mat, "edge_index": edge_index, "num_nodes": N}

def reference(label_mat, edge_index, num_nodes):
    row = edge_index[0]
    col = edge_index[1]
    n = label_mat.shape[0]
    self_loop = jnp.arange(n, dtype=edge_index.dtype)
    self_loop = self_loop % jnp.asarray(num_nodes, dtype=edge_index.dtype)
    row = jnp.concatenate([row, self_loop], axis=0)
    col = jnp.concatenate([col, self_loop], axis=0)
    one = jnp.ones_like(row, dtype=label_mat.dtype)
    deg = jnp.zeros((n,), dtype=label_mat.dtype).at[row].add(one)
    deg_inv_sqrt = jnp.power(deg, -0.5)
    deg_inv_sqrt = jnp.where(jnp.isinf(deg_inv_sqrt), 0.0, deg_inv_sqrt)
    norm = deg_inv_sqrt[row] * deg_inv_sqrt[col]
    messages = label_mat[row] * norm[:, None]
    out = jnp.zeros_like(label_mat).at[col].add(messages)
    return out

if __name__ == "__main__":
    import jax
    _d = setup_inputs()
    print(jax.jit(kernel)(*tuple(_d.values())))

</pallas_src>

<mosaic_0001>
#map = affine_map<(d0, d1) -> (0, 0)>
#map1 = affine_map<(d0, d1) -> (0, 0, 0)>
module attributes {stable_mosaic.version = 14 : i64} {
  func.func @_scatter_kernel_body(%arg0: i32, %arg1: i32, %arg2: memref<10240x128xf32, #tpu.memory_space<hbm>>, %arg3: memref<32x10368xi32, #tpu.memory_space<hbm>>, %arg4: memref<64x128xf32, #tpu.memory_space<hbm>>, %arg5: memref<2x10240x128xf32, #tpu.memory_space<hbm>>, %arg6: memref<10240x128xf32, #tpu.memory_space<vmem_shared>>, %arg7: memref<10368xi32, #tpu.memory_space<vmem>>, %arg8: memref<128x128xf32, #tpu.memory_space<vmem>>, %arg9: memref<128x128xf32, #tpu.memory_space<vmem>>, %arg10: memref<128xi32, #tpu.memory_space<vmem>>, %arg11: memref<128xi32, #tpu.memory_space<vmem>>, %arg12: memref<128xi32, #tpu.memory_space<vmem>>, %arg13: memref<128xi32, #tpu.memory_space<vmem>>, %arg14: memref<!tpu.dma_semaphore, #tpu.memory_space<semaphore_mem>>, %arg15: memref<!tpu.dma_semaphore, #tpu.memory_space<semaphore_mem>>) attributes {dimension_semantics = [#tpu.dimension_semantics<core_parallel>, #tpu.dimension_semantics<subcore_parallel>], iteration_bounds = array<i64: 2, 16>, scalar_prefetch = 0 : i64, scratch_operands = 10 : i64, tpu.core_type = #tpu.core_type<sc_vector_subcore>, window_params = [{transform_indices = #map}, {transform_indices = #map}, {transform_indices = #map}, {transform_indices = #map1}]} {
    %mul3A = arith.constant 16 : i32
    %mul3A_0 = arith.muli %arg0, %mul3A : i32
    %add3A = arith.addi %mul3A_0, %arg1 : i32
    "tpu.region"() ({
      %run_scoped3A = tpu.sem_alloc : memref<!tpu.dma_semaphore, #tpu.memory_space<semaphore_mem>>
      %dma_start3A_154 = arith.constant 0 : i32
      %dma_start3A_155 = arith.constant 0 : i32
      %dma_start3A_156 = tpu.memref_slice %arg8[%dma_start3A_154, %dma_start3A_155] : memref<128x128xf32, #tpu.memory_space<vmem>> -> memref<64x128xf32, #tpu.memory_space<vmem>>
      %dma_start3A_157 = arith.constant 0 : i32
      %dma_start3A_158 = arith.constant 0 : i32
      %dma_start3A_159 = tpu.memref_slice %arg8[%dma_start3A_157, %dma_start3A_158] : memref<128x128xf32, #tpu.memory_space<vmem>> -> memref<64x128xf32, #tpu.memory_space<vmem>>
      tpu.enqueue_dma source(%arg4 : memref<64x128xf32, #tpu.memory_space<hbm>>) target(%dma_start3A_159 : memref<64x128xf32, #tpu.memory_space<vmem>>) target_semaphore(%run_scoped3A : memref<!tpu.dma_semaphore, #tpu.memory_space<semaphore_mem>>)
      %dma_wait3A_160 = arith.constant 0 : i32
      %dma_wait3A_161 = arith.constant 0 : i32
      %dma_wait3A_162 = tpu.memref_slice %arg8[%dma_wait3A_160, %dma_wait3A_161] : memref<128x128xf32, #tpu.memory_space<vmem>> -> memref<64x128xf32, #tpu.memory_space<vmem>>
      %dma_wait3A_163 = arith.constant 0 : i32
      %dma_wait3A_164 = arith.constant 0 : i32
      %dma_wait3A_165 = tpu.memref_slice %arg8[%dma_wait3A_163, %dma_wait3A_164] : memref<128x128xf32, #tpu.memory_space<vmem>> -> memref<64x128xf32, #tpu.memory_space<vmem>>
      tpu.wait_dma2 semaphore(%run_scoped3A : memref<!tpu.dma_semaphore, #tpu.memory_space<semaphore_mem>>) src(%arg4 : memref<64x128xf32, #tpu.memory_space<hbm>>) dst(%dma_wait3A_165 : memref<64x128xf32, #tpu.memory_space<vmem>>)
      tpu.yield
    }) : () -> ()
    %scan3A = arith.constant 0 : i32
    %scan3A_1 = arith.constant 0 : i32
    %scan3A_2 = arith.constant 10 : i32
    %scan3A_3 = arith.addi %scan3A_1, %scan3A_2 : i32
    %scan3A_4 = arith.constant 1 : i32
    scf.for %scan3A_154 = %scan3A_1 to %scan3A_3 step %scan3A_4  : i32 {
      %mul3A_155 = arith.constant 640 : i32
      %mul3A_156 = arith.muli %arg1, %mul3A_155 : i32
      %mul3A_157 = arith.constant 64 : i32
      %mul3A_158 = arith.muli %scan3A_154, %mul3A_157 : i32
      %add3A_159 = arith.addi %mul3A_156, %mul3A_158 : i32
      "tpu.region"() ({
        %run_scoped3A = tpu.sem_alloc : memref<!tpu.dma_semaphore, #tpu.memory_space<semaphore_mem>>
        %dma_start3A_160 = arith.constant 0 : i32
        %dma_start3A_161 = arith.constant 0 : i32
        %dma_start3A_162 = tpu.memref_slice %arg8[%dma_start3A_160, %dma_start3A_161] : memref<128x128xf32, #tpu.memory_space<vmem>> -> memref<64x128xf32, #tpu.memory_space<vmem>>
        %dma_start3A_163 = arith.constant 0 : i32
        %dma_start3A_164 = tpu.memref_slice %arg6[%add3A_159, %dma_start3A_163] : memref<10240x128xf32, #tpu.memory_space<vmem_shared>> -> memref<64x128xf32, #tpu.memory_space<vmem_shared>>
        %dma_start3A_165 = arith.constant 0 : i32
        %dma_start3A_166 = tpu.memref_slice %arg6[%add3A_159, %dma_start3A_165] : memref<10240x128xf32, #tpu.memory_space<vmem_shared>> -> memref<64x128xf32, #tpu.memory_space<vmem_shared>>
        %dma_start3A_167 = arith.constant 0 : i32
        %dma_start3A_168 = arith.constant 0 : i32
        %dma_start3A_169 = tpu.memref_slice %arg8[%dma_start3A_167, %dma_start3A_168] : memref<128x128xf32, #tpu.memory_space<vmem>> -> memref<64x128xf32, #tpu.memory_space<vmem>>
        tpu.enqueue_dma source(%dma_start3A_169 : memref<64x128xf32, #tpu.memory_space<vmem>>) target(%dma_start3A_166 : memref<64x128xf32, #tpu.memory_space<vmem_shared>>) target_semaphore(%run_scoped3A : memref<!tpu.dma_semaphore, #tpu.memory_space<semaphore_mem>>)
        %dma_wait3A_170 = arith.constant 0 : i32
        %dma_wait3A_171 = arith.constant 0 : i32
        %dma_wait3A_172 = tpu.memref_slice %arg8[%dma_wait3A_170, %dma_wait3A_171] : memref<128x128xf32, #tpu.memory_space<vmem>> -> memref<64x128xf32, #tpu.memory_space<vmem>>
        %dma_wait3A_173 = arith.constant 0 : i32
        %dma_wait3A_174 = tpu.memref_slice %arg6[%add3A_159, %dma_wait3A_173] : memref<10240x128xf32, #tpu.memory_space<vmem_shared>> -> memref<64x128xf32, #tpu.memory_space<vmem_shared>>
        %dma_wait3A_175 = arith.constant 0 : i32
        %dma_wait3A_176 = tpu.memref_slice %arg6[%add3A_159, %dma_wait3A_175] : memref<10240x128xf32, #tpu.memory_space<vmem_shared>> -> memref<64x128xf32, #tpu.memory_space<vmem_shared>>
        %dma_wait3A_177 = arith.constant 0 : i32
        %dma_wait3A_178 = arith.constant 0 : i32
        %dma_wait3A_179 = tpu.memref_slice %arg8[%dma_wait3A_177, %dma_wait3A_178] : memref<128x128xf32, #tpu.memory_space<vmem>> -> memref<64x128xf32, #tpu.memory_space<vmem>>
        tpu.wait_dma2 semaphore(%run_scoped3A : memref<!tpu.dma_semaphore, #tpu.memory_space<semaphore_mem>>) src(%dma_wait3A_179 : memref<64x128xf32, #tpu.memory_space<vmem>>) dst(%dma_wait3A_176 : memref<64x128xf32, #tpu.memory_space<vmem_shared>>)
        tpu.yield
      }) : () -> ()
    }
    %scan3A_5 = arith.constant 10 : i32
    "tpu.region"() ({
      %run_scoped3A = tpu.sem_alloc : memref<!tpu.dma_semaphore, #tpu.memory_space<semaphore_mem>>
      %dma_start3A_154 = arith.constant 0 : i32
      %dma_start3A_155 = tpu.memref_slice %arg3[%add3A, %dma_start3A_154] : memref<32x10368xi32, #tpu.memory_space<hbm>> -> memref<1x10368xi32, #tpu.memory_space<hbm>>
      %dma_start3A_156 = tpu.memref_squeeze %dma_start3A_155 : memref<1x10368xi32, #tpu.memory_space<hbm>> -> memref<10368xi32, #tpu.memory_space<hbm>>
      %dma_start3A_157 = arith.constant 0 : i32
      %dma_start3A_158 = tpu.memref_slice %arg3[%add3A, %dma_start3A_157] : memref<32x10368xi32, #tpu.memory_space<hbm>> -> memref<1x10368xi32, #tpu.memory_space<hbm>>
      %dma_start3A_159 = tpu.memref_squeeze %dma_start3A_158 : memref<1x10368xi32, #tpu.memory_space<hbm>> -> memref<10368xi32, #tpu.memory_space<hbm>>
      tpu.enqueue_dma source(%dma_start3A_159 : memref<10368xi32, #tpu.memory_space<hbm>>) target(%arg7 : memref<10368xi32, #tpu.memory_space<vmem>>) target_semaphore(%run_scoped3A : memref<!tpu.dma_semaphore, #tpu.memory_space<semaphore_mem>>)
      %dma_wait3A_160 = arith.constant 0 : i32
      %dma_wait3A_161 = tpu.memref_slice %arg3[%add3A, %dma_wait3A_160] : memref<32x10368xi32, #tpu.memory_space<hbm>> -> memref<1x10368xi32, #tpu.memory_space<hbm>>
      %dma_wait3A_162 = tpu.memref_squeeze %dma_wait3A_161 : memref<1x10368xi32, #tpu.memory_space<hbm>> -> memref<10368xi32, #tpu.memory_space<hbm>>
      %dma_wait3A_163 = arith.constant 0 : i32
      %dma_wait3A_164 = tpu.memref_slice %arg3[%add3A, %dma_wait3A_163] : memref<32x10368xi32, #tpu.memory_space<hbm>> -> memref<1x10368xi32, #tpu.memory_space<hbm>>
      %dma_wait3A_165 = tpu.memref_squeeze %dma_wait3A_164 : memref<1x10368xi32, #tpu.memory_space<hbm>> -> memref<10368xi32, #tpu.memory_space<hbm>>
      tpu.wait_dma2 semaphore(%run_scoped3A : memref<!tpu.dma_semaphore, #tpu.memory_space<semaphore_mem>>) src(%dma_wait3A_165 : memref<10368xi32, #tpu.memory_space<hbm>>) dst(%arg7 : memref<10368xi32, #tpu.memory_space<vmem>>)
      tpu.yield
    }) : () -> ()
    %barrier3A = arith.constant 0 : index
    tpu.barrier barrier_id(%barrier3A)
    %get3A = arith.constant 0 : index
    %get3A_6 = tpu.vector_load %arg7[%get3A] {strides = array<i32>} : memref<10368xi32, #tpu.memory_space<vmem>>, vector<16xi32>,
    %get3A_7 = vector.shape_cast %get3A_6 : vector<16xi32> to vector<16xi32>
    %and3A = arith.constant 65535 : i32
    %and3A_8 = vector.broadcast %and3A : i32 to vector<16xi32>
    %and3A_9 = arith.andi %get3A_7, %and3A_8 : vector<16xi32>
    %swap3A = arith.constant 0 : index
    %swap3A_10 = tpu.vector_load %arg10[%swap3A] {strides = array<i32>} : memref<128xi32, #tpu.memory_space<vmem>>, vector<16xi32>,
    %swap3A_11 = vector.shape_cast %swap3A_10 : vector<16xi32> to vector<16xi32>
    %swap3A_12 = vector.shape_cast %and3A_9 : vector<16xi32> to vector<16xi32>
    tpu.vector_store %arg10[%swap3A], %swap3A_12 {strides = array<i32>} : memref<128xi32, #tpu.memory_space<vmem>>, vector<16xi32>,
    %shift_right_logical3A = arith.constant 16 : i32
    %shift_right_logical3A_13 = vector.broadcast %shift_right_logical3A : i32 to vector<16xi32>
    %shift_right_logical3A_14 = arith.shrui %get3A_7, %shift_right_logical3A_13 : vector<16xi32>
    %swap3A_15 = arith.constant 0 : index
    %swap3A_16 = tpu.vector_load %arg11[%swap3A_15] {strides = array<i32>} : memref<128xi32, #tpu.memory_space<vmem>>, vector<16xi32>,
    %swap3A_17 = vector.shape_cast %swap3A_16 : vector<16xi32> to vector<16xi32>
    %swap3A_18 = vector.shape_cast %shift_right_logical3A_14 : vector<16xi32> to vector<16xi32>
    tpu.vector_store %arg11[%swap3A_15], %swap3A_18 {strides = array<i32>} : memref<128xi32, #tpu.memory_space<vmem>>, vector<16xi32>,
    %get3A_19 = arith.constant 16 : index
    %get3A_20 = tpu.vector_load %arg7[%get3A_19] {strides = array<i32>} : memref<10368xi32, #tpu.memory_space<vmem>>, vector<16xi32>,
    %get3A_21 = vector.shape_cast %get3A_20 : vector<16xi32> to vector<16xi32>
    %and3A_22 = arith.constant 65535 : i32
    %and3A_23 = vector.broadcast %and3A_22 : i32 to vector<16xi32>
    %and3A_24 = arith.andi %get3A_21, %and3A_23 : vector<16xi32>
    %swap3A_25 = arith.constant 16 : index
    %swap3A_26 = tpu.vector_load %arg10[%swap3A_25] {strides = array<i32>} : memref<128xi32, #tpu.memory_space<vmem>>, vector<16xi32>,
    %swap3A_27 = vector.shape_cast %swap3A_26 : vector<16xi32> to vector<16xi32>
    %swap3A_28 = vector.shape_cast %and3A_24 : vector<16xi32> to vector<16xi32>
    tpu.vector_store %arg10[%swap3A_25], %swap3A_28 {strides = array<i32>} : memref<128xi32, #tpu.memory_space<vmem>>, vector<16xi32>,
    %shift_right_logical3A_29 = arith.constant 16 : i32
    %shift_right_logical3A_30 = vector.broadcast %shift_right_logical3A_29 : i32 to vector<16xi32>
    %shift_right_logical3A_31 = arith.shrui %get3A_21, %shift_right_logical3A_30 : vector<16xi32>
    %swap3A_32 = arith.constant 16 : index
    %swap3A_33 = tpu.vector_load %arg11[%swap3A_32] {strides = array<i32>} : memref<128xi32, #tpu.memory_space<vmem>>, vector<16xi32>,
    %swap3A_34 = vector.shape_cast %swap3A_33 : vector<16xi32> to vector<16xi32>
    %swap3A_35 = vector.shape_cast %shift_right_logical3A_31 : vector<16xi32> to vector<16xi32>
    tpu.vector_store %arg11[%swap3A_32], %swap3A_35 {strides = array<i32>} : memref<128xi32, #tpu.memory_space<vmem>>, vector<16xi32>,
    %get3A_36 = arith.constant 32 : index
    %get3A_37 = tpu.vector_load %arg7[%get3A_36] {strides = array<i32>} : memref<10368xi32, #tpu.memory_space<vmem>>, vector<16xi32>,
    %get3A_38 = vector.shape_cast %get3A_37 : vector<16xi32> to vector<16xi32>
    %and3A_39 = arith.constant 65535 : i32
    %and3A_40 = vector.broadcast %and3A_39 : i32 to vector<16xi32>
    %and3A_41 = arith.andi %get3A_38, %and3A_40 : vector<16xi32>
    %swap3A_42 = arith.constant 32 : index
    %swap3A_43 = tpu.vector_load %arg10[%swap3A_42] {strides = array<i32>} : memref<128xi32, #tpu.memory_space<vmem>>, vector<16xi32>,
    %swap3A_44 = vector.shape_cast %swap3A_43 : vector<16xi32> to vector<16xi32>
    %swap3A_45 = vector.shape_cast %and3A_41 : vector<16xi32> to vector<16xi32>
    tpu.vector_store %arg10[%swap3A_42], %swap3A_45 {strides = array<i32>} : memref<128xi32, #tpu.memory_space<vmem>>, vector<16xi32>,
    %shift_right_logical3A_46 = arith.constant 16 : i32
    %shift_right_logical3A_47 = vector.broadcast %shift_right_logical3A_46 : i32 to vector<16xi32>
    %shift_right_logical3A_48 = arith.shrui %get3A_38, %shift_right_logical3A_47 : vector<16xi32>
    %swap3A_49 = arith.constant 32 : index
    %swap3A_50 = tpu.vector_load %arg11[%swap3A_49] {strides = array<i32>} : memref<128xi32, #tpu.memory_space<vmem>>, vector<16xi32>,
    %swap3A_51 = vector.shape_cast %swap3A_50 : vector<16xi32> to vector<16xi32>
    %swap3A_52 = vector.shape_cast %shift_right_logical3A_48 : vector<16xi32> to vector<16xi32>
    tpu.vector_store %arg11[%swap3A_49], %swap3A_52 {strides = array<i32>} : memref<128xi32, #tpu.memory_space<vmem>>, vector<16xi32>,
    %get3A_53 = arith.constant 48 : index
    %get3A_54 = tpu.vector_load %arg7[%get3A_53] {strides = array<i32>} : memref<10368xi32, #tpu.memory_space<vmem>>, vector<16xi32>,
    %get3A_55 = vector.shape_cast %get3A_54 : vector<16xi32> to vector<16xi32>
    %and3A_56 = arith.constant 65535 : i32
    %and3A_57 = vector.broadcast %and3A_56 : i32 to vector<16xi32>
    %and3A_58 = arith.andi %get3A_55, %and3A_57 : vector<16xi32>
    %swap3A_59 = arith.constant 48 : index
    %swap3A_60 = tpu.vector_load %arg10[%swap3A_59] {strides = array<i32>} : memref<128xi32, #tpu.memory_space<vmem>>, vector<16xi32>,
    %swap3A_61 = vector.shape_cast %swap3A_60 : vector<16xi32> to vector<16xi32>
    %swap3A_62 = vector.shape_cast %and3A_58 : vector<16xi32> to vector<16xi32>
    tpu.vector_store %arg10[%swap3A_59], %swap3A_62 {strides = array<i32>} : memref<128xi32, #tpu.memory_space<vmem>>, vector<16xi32>,
    %shift_right_logical3A_63 = arith.constant 16 : i32
    %shift_right_logical3A_64 = vector.broadcast %shift_right_logical3A_63 : i32 to vector<16xi32>
    %shift_right_logical3A_65 = arith.shrui %get3A_55, %shift_right_logical3A_64 : vector<16xi32>
    %swap3A_66 = arith.constant 48 : index
    %swap3A_67 = tpu.vector_load %arg11[%swap3A_66] {strides = array<i32>} : memref<128xi32, #tpu.memory_space<vmem>>, vector<16xi32>,
    %swap3A_68 = vector.shape_cast %swap3A_67 : vector<16xi32> to vector<16xi32>
    %swap3A_69 = vector.shape_cast %shift_right_logical3A_65 : vector<16xi32> to vector<16xi32>
    tpu.vector_store %arg11[%swap3A_66], %swap3A_69 {strides = array<i32>} : memref<128xi32, #tpu.memory_space<vmem>>, vector<16xi32>,
    %get3A_70 = arith.constant 64 : index
    %get3A_71 = tpu.vector_load %arg7[%get3A_70] {strides = array<i32>} : memref<10368xi32, #tpu.memory_space<vmem>>, vector<16xi32>,
    %get3A_72 = vector.shape_cast %get3A_71 : vector<16xi32> to vector<16xi32>
    %and3A_73 = arith.constant 65535 : i32
    %and3A_74 = vector.broadcast %and3A_73 : i32 to vector<16xi32>
    %and3A_75 = arith.andi %get3A_72, %and3A_74 : vector<16xi32>
    %swap3A_76 = arith.constant 64 : index
    %swap3A_77 = tpu.vector_load %arg10[%swap3A_76] {strides = array<i32>} : memref<128xi32, #tpu.memory_space<vmem>>, vector<16xi32>,
    %swap3A_78 = vector.shape_cast %swap3A_77 : vector<16xi32> to vector<16xi32>
    %swap3A_79 = vector.shape_cast %and3A_75 : vector<16xi32> to vector<16xi32>
    tpu.vector_store %arg10[%swap3A_76], %swap3A_79 {strides = array<i32>} : memref<128xi32, #tpu.memory_space<vmem>>, vector<16xi32>,
    %shift_right_logical3A_80 = arith.constant 16 : i32
    %shift_right_logical3A_81 = vector.broadcast %shift_right_logical3A_80 : i32 to vector<16xi32>
    %shift_right_logical3A_82 = arith.shrui %get3A_72, %shift_right_logical3A_81 : vector<16xi32>
    %swap3A_83 = arith.constant 64 : index
    %swap3A_84 = tpu.vector_load %arg11[%swap3A_83] {strides = array<i32>} : memref<128xi32, #tpu.memory_space<vmem>>, vector<16xi32>,
    %swap3A_85 = vector.shape_cast %swap3A_84 : vector<16xi32> to vector<16xi32>
    %swap3A_86 = vector.shape_cast %shift_right_logical3A_82 : vector<16xi32> to vector<16xi32>
    tpu.vector_store %arg11[%swap3A_83], %swap3A_86 {strides = array<i32>} : memref<128xi32, #tpu.memory_space<vmem>>, vector<16xi32>,
    %get3A_87 = arith.constant 80 : index
    %get3A_88 = tpu.vector_load %arg7[%get3A_87] {strides = array<i32>} : memref<10368xi32, #tpu.memory_space<vmem>>, vector<16xi32>,
    %get3A_89 = vector.shape_cast %get3A_88 : vector<16xi32> to vector<16xi32>
    %and3A_90 = arith.constant 65535 : i32
    %and3A_91 = vector.broadcast %and3A_90 : i32 to vector<16xi32>
    %and3A_92 = arith.andi %get3A_89, %and3A_91 : vector<16xi32>
    %swap3A_93 = arith.constant 80 : index
    %swap3A_94 = tpu.vector_load %arg10[%swap3A_93] {strides = array<i32>} : memref<128xi32, #tpu.memory_space<vmem>>, vector<16xi32>,
    %swap3A_95 = vector.shape_cast %swap3A_94 : vector<16xi32> to vector<16xi32>
    %swap3A_96 = vector.shape_cast %and3A_92 : vector<16xi32> to vector<16xi32>
    tpu.vector_store %arg10[%swap3A_93], %swap3A_96 {strides = array<i32>} : memref<128xi32, #tpu.memory_space<vmem>>, vector<16xi32>,
    %shift_right_logical3A_97 = arith.constant 16 : i32
    %shift_right_logical3A_98 = vector.broadcast %shift_right_logical3A_97 : i32 to vector<16xi32>
    %shift_right_logical3A_99 = arith.shrui %get3A_89, %shift_right_logical3A_98 : vector<16xi32>
    %swap3A_100 = arith.constant 80 : index
    %swap3A_101 = tpu.vector_load %arg11[%swap3A_100] {strides = array<i32>} : memref<128xi32, #tpu.memory_space<vmem>>, vector<16xi32>,
    %swap3A_102 = vector.shape_cast %swap3A_101 : vector<16xi32> to vector<16xi32>
    %swap3A_103 = vector.shape_cast %shift_right_logical3A_99 : vector<16xi32> to vector<16xi32>
    tpu.vector_store %arg11[%swap3A_100], %swap3A_103 {strides = array<i32>} : memref<128xi32, #tpu.memory_space<vmem>>, vector<16xi32>,
    %get3A_104 = arith.constant 96 : index
    %get3A_105 = tpu.vector_load %arg7[%get3A_104] {strides = array<i32>} : memref<10368xi32, #tpu.memory_space<vmem>>, vector<16xi32>,
    %get3A_106 = vector.shape_cast %get3A_105 : vector<16xi32> to vector<16xi32>
    %and3A_107 = arith.constant 65535 : i32
    %and3A_108 = vector.broadcast %and3A_107 : i32 to vector<16xi32>
    %and3A_109 = arith.andi %get3A_106, %and3A_108 : vector<16xi32>
    %swap3A_110 = arith.constant 96 : index
    %swap3A_111 = tpu.vector_load %arg10[%swap3A_110] {strides = array<i32>} : memref<128xi32, #tpu.memory_space<vmem>>, vector<16xi32>,
    %swap3A_112 = vector.shape_cast %swap3A_111 : vector<16xi32> to vector<16xi32>
    %swap3A_113 = vector.shape_cast %and3A_109 : vector<16xi32> to vector<16xi32>
    tpu.vector_store %arg10[%swap3A_110], %swap3A_113 {strides = array<i32>} : memref<128xi32, #tpu.memory_space<vmem>>, vector<16xi32>,
    %shift_right_logical3A_114 = arith.constant 16 : i32
    %shift_right_logical3A_115 = vector.broadcast %shift_right_logical3A_114 : i32 to vector<16xi32>
    %shift_right_logical3A_116 = arith.shrui %get3A_106, %shift_right_logical3A_115 : vector<16xi32>
    %swap3A_117 = arith.constant 96 : index
    %swap3A_118 = tpu.vector_load %arg11[%swap3A_117] {strides = array<i32>} : memref<128xi32, #tpu.memory_space<vmem>>, vector<16xi32>,
    %swap3A_119 = vector.shape_cast %swap3A_118 : vector<16xi32> to vector<16xi32>
    %swap3A_120 = vector.shape_cast %shift_right_logical3A_116 : vector<16xi32> to vector<16xi32>
    tpu.vector_store %arg11[%swap3A_117], %swap3A_120 {strides = array<i32>} : memref<128xi32, #tpu.memory_space<vmem>>, vector<16xi32>,
    %get3A_121 = arith.constant 112 : index
    %get3A_122 = tpu.vector_load %arg7[%get3A_121] {strides = array<i32>} : memref<10368xi32, #tpu.memory_space<vmem>>, vector<16xi32>,
    %get3A_123 = vector.shape_cast %get3A_122 : vector<16xi32> to vector<16xi32>
    %and3A_124 = arith.constant 65535 : i32
    %and3A_125 = vector.broadcast %and3A_124 : i32 to vector<16xi32>
    %and3A_126 = arith.andi %get3A_123, %and3A_125 : vector<16xi32>
    %swap3A_127 = arith.constant 112 : index
    %swap3A_128 = tpu.vector_load %arg10[%swap3A_127] {strides = array<i32>} : memref<128xi32, #tpu.memory_space<vmem>>, vector<16xi32>,
    %swap3A_129 = vector.shape_cast %swap3A_128 : vector<16xi32> to vector<16xi32>
    %swap3A_130 = vector.shape_cast %and3A_126 : vector<16xi32> to vector<16xi32>
    tpu.vector_store %arg10[%swap3A_127], %swap3A_130 {strides = array<i32>} : memref<128xi32, #tpu.memory_space<vmem>>, vector<16xi32>,
    %shift_right_logical3A_131 = arith.constant 16 : i32
    %shift_right_logical3A_132 = vector.broadcast %shift_right_logical3A_131 : i32 to vector<16xi32>
    %shift_right_logical3A_133 = arith.shrui %get3A_123, %shift_right_logical3A_132 : vector<16xi32>
    %swap3A_134 = arith.constant 112 : index
    %swap3A_135 = tpu.vector_load %arg11[%swap3A_134] {strides = array<i32>} : memref<128xi32, #tpu.memory_space<vmem>>, vector<16xi32>,
    %swap3A_136 = vector.shape_cast %swap3A_135 : vector<16xi32> to vector<16xi32>
    %swap3A_137 = vector.shape_cast %shift_right_logical3A_133 : vector<16xi32> to vector<16xi32>
    tpu.vector_store %arg11[%swap3A_134], %swap3A_137 {strides = array<i32>} : memref<128xi32, #tpu.memory_space<vmem>>, vector<16xi32>,
    %dma_start3A = arith.constant 0 : i32
    %dma_start3A_138 = arith.constant 0 : i32
    %dma_start3A_139 = tpu.memref_slice %arg2[%dma_start3A, %dma_start3A_138] : memref<10240x128xf32, #tpu.memory_space<hbm>> -> memref<10240x128xf32, #tpu.memory_space<hbm>>
    tpu.enqueue_indirect_dma source(%dma_start3A_139 : memref<10240x128xf32, #tpu.memory_space<hbm>>) target(%arg8 : memref<128x128xf32, #tpu.memory_space<vmem>>) offsets(%arg10 : memref<128xi32, #tpu.memory_space<vmem>>) semaphore(%arg14 : memref<!tpu.dma_semaphore, #tpu.memory_space<semaphore_mem>>)
    %scan3A_140 = arith.constant 0 : i32
    %scan3A_141 = arith.constant 65535 : i32
    %scan3A_142 = arith.constant 0 : i32
    %scan3A_143 = arith.constant 40 : i32
    %scan3A_144 = arith.addi %scan3A_142, %scan3A_143 : i32
    %scan3A_145 = arith.constant 1 : i32
    scf.for %scan3A_154 = %scan3A_142 to %scan3A_144 step %scan3A_145  : i32 {
      %mul3A_155 = arith.constant 2 : i32
      %mul3A_156 = arith.muli %mul3A_155, %scan3A_154 : i32
      %add3A_157 = arith.constant 1 : i32
      %add3A_158 = arith.addi %mul3A_156, %add3A_157 : i32
      %mul3A_159 = arith.constant 128 : i32
      %mul3A_160 = arith.muli %add3A_158, %mul3A_159 : i32
      %add3A_161 = arith.constant 0 : i32
      %add3A_162 = arith.addi %mul3A_160, %add3A_161 : i32
      %get3A_163 = arith.index_cast %add3A_162 : i32 to index
      %get3A_164 = tpu.vector_load %arg7[%get3A_163] {strides = array<i32>} : memref<10368xi32, #tpu.memory_space<vmem>>, vector<16xi32>,
      %get3A_165 = vector.shape_cast %get3A_164 : vector<16xi32> to vector<16xi32>
      %and3A_166 = vector.broadcast %scan3A_141 : i32 to vector<16xi32>
      %and3A_167 = arith.andi %get3A_165, %and3A_166 : vector<16xi32>
      %swap3A_168 = arith.constant 0 : index
      %swap3A_169 = tpu.vector_load %arg12[%swap3A_168] {strides = array<i32>} : memref<128xi32, #tpu.memory_space<vmem>>, vector<16xi32>,
      %swap3A_170 = vector.shape_cast %swap3A_169 : vector<16xi32> to vector<16xi32>
      %swap3A_171 = vector.shape_cast %and3A_167 : vector<16xi32> to vector<16xi32>
      tpu.vector_store %arg12[%swap3A_168], %swap3A_171 {strides = array<i32>} : memref<128xi32, #tpu.memory_space<vmem>>, vector<16xi32>,
      %shift_right_logical3A_172 = arith.constant 16 : i32
      %shift_right_logical3A_173 = vector.broadcast %shift_right_logical3A_172 : i32 to vector<16xi32>
      %shift_right_logical3A_174 = arith.shrui %get3A_165, %shift_right_logical3A_173 : vector<16xi32>
      %swap3A_175 = arith.constant 0 : index
      %swap3A_176 = tpu.vector_load %arg13[%swap3A_175] {strides = array<i32>} : memref<128xi32, #tpu.memory_space<vmem>>, vector<16xi32>,
      %swap3A_177 = vector.shape_cast %swap3A_176 : vector<16xi32> to vector<16xi32>
      %swap3A_178 = vector.shape_cast %shift_right_logical3A_174 : vector<16xi32> to vector<16xi32>
      tpu.vector_store %arg13[%swap3A_175], %swap3A_178 {strides = array<i32>} : memref<128xi32, #tpu.memory_space<vmem>>, vector<16xi32>,
      %mul3A_179 = arith.constant 128 : i32
      %mul3A_180 = arith.muli %add3A_158, %mul3A_179 : i32
      %add3A_181 = arith.constant 16 : i32
      %add3A_182 = arith.addi %mul3A_180, %add3A_181 : i32
      %get3A_183 = arith.index_cast %add3A_182 : i32 to index
      %get3A_184 = tpu.vector_load %arg7[%get3A_183] {strides = array<i32>} : memref<10368xi32, #tpu.memory_space<vmem>>, vector<16xi32>,
      %get3A_185 = vector.shape_cast %get3A_184 : vector<16xi32> to vector<16xi32>
      %and3A_186 = vector.broadcast %scan3A_141 : i32 to vector<16xi32>
      %and3A_187 = arith.andi %get3A_185, %and3A_186 : vector<16xi32>
      %swap3A_188 = arith.constant 16 : index
      %swap3A_189 = tpu.vector_load %arg12[%swap3A_188] {strides = array<i32>} : memref<128xi32, #tpu.memory_space<vmem>>, vector<16xi32>,
      %swap3A_190 = vector.shape_cast %swap3A_189 : vector<16xi32> to vector<16xi32>
      %swap3A_191 = vector.shape_cast %and3A_187 : vector<16xi32> to vector<16xi32>
      tpu.vector_store %arg12[%swap3A_188], %swap3A_191 {strides = array<i32>} : memref<128xi32, #tpu.memory_space<vmem>>, vector<16xi32>,
      %shift_right_logical3A_192 = arith.constant 16 : i32
      %shift_right_logical3A_193 = vector.broadcast %shift_right_logical3A_192 : i32 to vector<16xi32>
      %shift_right_logical3A_194 = arith.shrui %get3A_185, %shift_right_logical3A_193 : vector<16xi32>
      %swap3A_195 = arith.constant 16 : index
      %swap3A_196 = tpu.vector_load %arg13[%swap3A_195] {strides = array<i32>} : memref<128xi32, #tpu.memory_space<vmem>>, vector<16xi32>,
      %swap3A_197 = vector.shape_cast %swap3A_196 : vector<16xi32> to vector<16xi32>
      %swap3A_198 = vector.shape_cast %shift_right_logical3A_194 : vector<16xi32> to vector<16xi32>
      tpu.vector_store %arg13[%swap3A_195], %swap3A_198 {strides = array<i32>} : memref<128xi32, #tpu.memory_space<vmem>>, vector<16xi32>,
      %mul3A_199 = arith.constant 128 : i32
      %mul3A_200 = arith.muli %add3A_158, %mul3A_199 : i32
      %add3A_201 = arith.constant 32 : i32
      %add3A_202 = arith.addi %mul3A_200, %add3A_201 : i32
      %get3A_203 = arith.index_cast %add3A_202 : i32 to index
      %get3A_204 = tpu.vector_load %arg7[%get3A_203] {strides = array<i32>} : memref<10368xi32, #tpu.memory_space<vmem>>, vector<16xi32>,
      %get3A_205 = vector.shape_cast %get3A_204 : vector<16xi32> to vector<16xi32>
      %and3A_206 = vector.broadcast %scan3A_141 : i32 to vector<16xi32>
      %and3A_207 = arith.andi %get3A_205, %and3A_206 : vector<16xi32>
      %swap3A_208 = arith.constant 32 : index
      %swap3A_209 = tpu.vector_load %arg12[%swap3A_208] {strides = array<i32>} : memref<128xi32, #tpu.memory_space<vmem>>, vector<16xi32>,
      %swap3A_210 = vector.shape_cast %swap3A_209 : vector<16xi32> to vector<16xi32>
      %swap3A_211 = vector.shape_cast %and3A_207 : vector<16xi32> to vector<16xi32>
      tpu.vector_store %arg12[%swap3A_208], %swap3A_211 {strides = array<i32>} : memref<128xi32, #tpu.memory_space<vmem>>, vector<16xi32>,
      %shift_right_logical3A_212 = arith.constant 16 : i32
      %shift_right_logical3A_213 = vector.broadcast %shift_right_logical3A_212 : i32 to vector<16xi32>
      %shift_right_logical3A_214 = arith.shrui %get3A_205, %shift_right_logical3A_213 : vector<16xi32>
      %swap3A_215 = arith.constant 32 : index
      %swap3A_216 = tpu.vector_load %arg13[%swap3A_215] {strides = array<i32>} : memref<128xi32, #tpu.memory_space<vmem>>, vector<16xi32>,
      %swap3A_217 = vector.shape_cast %swap3A_216 : vector<16xi32> to vector<16xi32>
      %swap3A_218 = vector.shape_cast %shift_right_logical3A_214 : vector<16xi32> to vector<16xi32>
      tpu.vector_store %arg13[%swap3A_215], %swap3A_218 {strides = array<i32>} : memref<128xi32, #tpu.memory_space<vmem>>, vector<16xi32>,
      %mul3A_219 = arith.constant 128 : i32
      %mul3A_220 = arith.muli %add3A_158, %mul3A_219 : i32
      %add3A_221 = arith.constant 48 : i32
      %add3A_222 = arith.addi %mul3A_220, %add3A_221 : i32
      %get3A_223 = arith.index_cast %add3A_222 : i32 to index
      %get3A_224 = tpu.vector_load %arg7[%get3A_223] {strides = array<i32>} : memref<10368xi32, #tpu.memory_space<vmem>>, vector<16xi32>,
      %get3A_225 = vector.shape_cast %get3A_224 : vector<16xi32> to vector<16xi32>
      %and3A_226 = vector.broadcast %scan3A_141 : i32 to vector<16xi32>
      %and3A_227 = arith.andi %get3A_225, %and3A_226 : vector<16xi32>
      %swap3A_228 = arith.constant 48 : index
      %swap3A_229 = tpu.vector_load %arg12[%swap3A_228] {strides = array<i32>} : memref<128xi32, #tpu.memory_space<vmem>>, vector<16xi32>,
      %swap3A_230 = vector.shape_cast %swap3A_229 : vector<16xi32> to vector<16xi32>
      %swap3A_231 = vector.shape_cast %and3A_227 : vector<16xi32> to vector<16xi32>
      tpu.vector_store %arg12[%swap3A_228], %swap3A_231 {strides = array<i32>} : memref<128xi32, #tpu.memory_space<vmem>>, vector<16xi32>,
      %shift_right_logical3A_232 = arith.constant 16 : i32
      %shift_right_logical3A_233 = vector.broadcast %shift_right_logical3A_232 : i32 to vector<16xi32>
      %shift_right_logical3A_234 = arith.shrui %get3A_225, %shift_right_logical3A_233 : vector<16xi32>
      %swap3A_235 = arith.constant 48 : index
      %swap3A_236 = tpu.vector_load %arg13[%swap3A_235] {strides = array<i32>} : memref<128xi32, #tpu.memory_space<vmem>>, vector<16xi32>,
      %swap3A_237 = vector.shape_cast %swap3A_236 : vector<16xi32> to vector<16xi32>
      %swap3A_238 = vector.shape_cast %shift_right_logical3A_234 : vector<16xi32> to vector<16xi32>
      tpu.vector_store %arg13[%swap3A_235], %swap3A_238 {strides = array<i32>} : memref<128xi32, #tpu.memory_space<vmem>>, vector<16xi32>,
      %mul3A_239 = arith.constant 128 : i32
      %mul3A_240 = arith.muli %add3A_158, %mul3A_239 : i32
      %add3A_241 = arith.constant 64 : i32
      %add3A_242 = arith.addi %mul3A_240, %add3A_241 : i32
      %get3A_243 = arith.index_cast %add3A_242 : i32 to index
      %get3A_244 = tpu.vector_load %arg7[%get3A_243] {strides = array<i32>} : memref<10368xi32, #tpu.memory_space<vmem>>, vector<16xi32>,
      %get3A_245 = vector.shape_cast %get3A_244 : vector<16xi32> to vector<16xi32>
      %and3A_246 = vector.broadcast %scan3A_141 : i32 to vector<16xi32>
      %and3A_247 = arith.andi %get3A_245, %and3A_246 : vector<16xi32>
      %swap3A_248 = arith.constant 64 : index
      %swap3A_249 = tpu.vector_load %arg12[%swap3A_248] {strides = array<i32>} : memref<128xi32, #tpu.memory_space<vmem>>, vector<16xi32>,
      %swap3A_250 = vector.shape_cast %swap3A_249 : vector<16xi32> to vector<16xi32>
      %swap3A_251 = vector.shape_cast %and3A_247 : vector<16xi32> to vector<16xi32>
      tpu.vector_store %arg12[%swap3A_248], %swap3A_251 {strides = array<i32>} : memref<128xi32, #tpu.memory_space<vmem>>, vector<16xi32>,
      %shift_right_logical3A_252 = arith.constant 16 : i32
      %shift_right_logical3A_253 = vector.broadcast %shift_right_logical3A_252 : i32 to vector<16xi32>
      %shift_right_logical3A_254 = arith.shrui %get3A_245, %shift_right_logical3A_253 : vector<16xi32>
      %swap3A_255 = arith.constant 64 : index
      %swap3A_256 = tpu.vector_load %arg13[%swap3A_255] {strides = array<i32>} : memref<128xi32, #tpu.memory_space<vmem>>, vector<16xi32>,
      %swap3A_257 = vector.shape_cast %swap3A_256 : vector<16xi32> to vector<16xi32>
      %swap3A_258 = vector.shape_cast %shift_right_logical3A_254 : vector<16xi32> to vector<16xi32>
      tpu.vector_store %arg13[%swap3A_255], %swap3A_258 {strides = array<i32>} : memref<128xi32, #tpu.memory_space<vmem>>, vector<16xi32>,
      %mul3A_259 = arith.constant 128 : i32
      %mul3A_260 = arith.muli %add3A_158, %mul3A_259 : i32
      %add3A_261 = arith.constant 80 : i32
      %add3A_262 = arith.addi %mul3A_260, %add3A_261 : i32
      %get3A_263 = arith.index_cast %add3A_262 : i32 to index
      %get3A_264 = tpu.vector_load %arg7[%get3A_263] {strides = array<i32>} : memref<10368xi32, #tpu.memory_space<vmem>>, vector<16xi32>,
      %get3A_265 = vector.shape_cast %get3A_264 : vector<16xi32> to vector<16xi32>
      %and3A_266 = vector.broadcast %scan3A_141 : i32 to vector<16xi32>
      %and3A_267 = arith.andi %get3A_265, %and3A_266 : vector<16xi32>
      %swap3A_268 = arith.constant 80 : index
      %swap3A_269 = tpu.vector_load %arg12[%swap3A_268] {strides = array<i32>} : memref<128xi32, #tpu.memory_space<vmem>>, vector<16xi32>,
      %swap3A_270 = vector.shape_cast %swap3A_269 : vector<16xi32> to vector<16xi32>
      %swap3A_271 = vector.shape_cast %and3A_267 : vector<16xi32> to vector<16xi32>
      tpu.vector_store %arg12[%swap3A_268], %swap3A_271 {strides = array<i32>} : memref<128xi32, #tpu.memory_space<vmem>>, vector<16xi32>,
      %shift_right_logical3A_272 = arith.constant 16 : i32
      %shift_right_logical3A_273 = vector.broadcast %shift_right_logical3A_272 : i32 to vector<16xi32>
      %shift_right_logical3A_274 = arith.shrui %get3A_265, %shift_right_logical3A_273 : vector<16xi32>
      %swap3A_275 = arith.constant 80 : index
      %swap3A_276 = tpu.vector_load %arg13[%swap3A_275] {strides = array<i32>} : memref<128xi32, #tpu.memory_space<vmem>>, vector<16xi32>,
      %swap3A_277 = vector.shape_cast %swap3A_276 : vector<16xi32> to vector<16xi32>
      %swap3A_278 = vector.shape_cast %shift_right_logical3A_274 : vector<16xi32> to vector<16xi32>
      tpu.vector_store %arg13[%swap3A_275], %swap3A_278 {strides = array<i32>} : memref<128xi32, #tpu.memory_space<vmem>>, vector<16xi32>,
      %mul3A_279 = arith.constant 128 : i32
      %mul3A_280 = arith.muli %add3A_158, %mul3A_279 : i32
      %add3A_281 = arith.constant 96 : i32
      %add3A_282 = arith.addi %mul3A_280, %add3A_281 : i32
      %get3A_283 = arith.index_cast %add3A_282 : i32 to index
      %get3A_284 = tpu.vector_load %arg7[%get3A_283] {strides = array<i32>} : memref<10368xi32, #tpu.memory_space<vmem>>, vector<16xi32>,
      %get3A_285 = vector.shape_cast %get3A_284 : vector<16xi32> to vector<16xi32>
      %and3A_286 = vector.broadcast %scan3A_141 : i32 to vector<16xi32>
      %and3A_287 = arith.andi %get3A_285, %and3A_286 : vector<16xi32>
      %swap3A_288 = arith.constant 96 : index
      %swap3A_289 = tpu.vector_load %arg12[%swap3A_288] {strides = array<i32>} : memref<128xi32, #tpu.memory_space<vmem>>, vector<16xi32>,
      %swap3A_290 = vector.shape_cast %swap3A_289 : vector<16xi32> to vector<16xi32>
      %swap3A_291 = vector.shape_cast %and3A_287 : vector<16xi32> to vector<16xi32>
      tpu.vector_store %arg12[%swap3A_288], %swap3A_291 {strides = array<i32>} : memref<128xi32, #tpu.memory_space<vmem>>, vector<16xi32>,
      %shift_right_logical3A_292 = arith.constant 16 : i32
      %shift_right_logical3A_293 = vector.broadcast %shift_right_logical3A_292 : i32 to vector<16xi32>
      %shift_right_logical3A_294 = arith.shrui %get3A_285, %shift_right_logical3A_293 : vector<16xi32>
      %swap3A_295 = arith.constant 96 : index
      %swap3A_296 = tpu.vector_load %arg13[%swap3A_295] {strides = array<i32>} : memref<128xi32, #tpu.memory_space<vmem>>, vector<16xi32>,
      %swap3A_297 = vector.shape_cast %swap3A_296 : vector<16xi32> to vector<16xi32>
      %swap3A_298 = vector.shape_cast %shift_right_logical3A_294 : vector<16xi32> to vector<16xi32>
      tpu.vector_store %arg13[%swap3A_295], %swap3A_298 {strides = array<i32>} : memref<128xi32, #tpu.memory_space<vmem>>, vector<16xi32>,
      %mul3A_299 = arith.constant 128 : i32
      %mul3A_300 = arith.muli %add3A_158, %mul3A_299 : i32
      %add3A_301 = arith.constant 112 : i32
      %add3A_302 = arith.addi %mul3A_300, %add3A_301 : i32
      %get3A_303 = arith.index_cast %add3A_302 : i32 to index
      %get3A_304 = tpu.vector_load %arg7[%get3A_303] {strides = array<i32>} : memref<10368xi32, #tpu.memory_space<vmem>>, vector<16xi32>,
      %get3A_305 = vector.shape_cast %get3A_304 : vector<16xi32> to vector<16xi32>
      %and3A_306 = vector.broadcast %scan3A_141 : i32 to vector<16xi32>
      %and3A_307 = arith.andi %get3A_305, %and3A_306 : vector<16xi32>
      %swap3A_308 = arith.constant 112 : index
      %swap3A_309 = tpu.vector_load %arg12[%swap3A_308] {strides = array<i32>} : memref<128xi32, #tpu.memory_space<vmem>>, vector<16xi32>,
      %swap3A_310 = vector.shape_cast %swap3A_309 : vector<16xi32> to vector<16xi32>
      %swap3A_311 = vector.shape_cast %and3A_307 : vector<16xi32> to vector<16xi32>
      tpu.vector_store %arg12[%swap3A_308], %swap3A_311 {strides = array<i32>} : memref<128xi32, #tpu.memory_space<vmem>>, vector<16xi32>,
      %shift_right_logical3A_312 = arith.constant 16 : i32
      %shift_right_logical3A_313 = vector.broadcast %shift_right_logical3A_312 : i32 to vector<16xi32>
      %shift_right_logical3A_314 = arith.shrui %get3A_305, %shift_right_logical3A_313 : vector<16xi32>
      %swap3A_315 = arith.constant 112 : index
      %swap3A_316 = tpu.vector_load %arg13[%swap3A_315] {strides = array<i32>} : memref<128xi32, #tpu.memory_space<vmem>>, vector<16xi32>,
      %swap3A_317 = vector.shape_cast %swap3A_316 : vector<16xi32> to vector<16xi32>
      %swap3A_318 = vector.shape_cast %shift_right_logical3A_314 : vector<16xi32> to vector<16xi32>
      tpu.vector_store %arg13[%swap3A_315], %swap3A_318 {strides = array<i32>} : memref<128xi32, #tpu.memory_space<vmem>>, vector<16xi32>,
      %dma_start3A_319 = arith.constant 0 : i32
      %dma_start3A_320 = arith.constant 0 : i32
      %dma_start3A_321 = tpu.memref_slice %arg2[%dma_start3A_319, %dma_start3A_320] : memref<10240x128xf32, #tpu.memory_space<hbm>> -> memref<10240x128xf32, #tpu.memory_space<hbm>>
      tpu.enqueue_indirect_dma source(%dma_start3A_321 : memref<10240x128xf32, #tpu.memory_space<hbm>>) target(%arg9 : memref<128x128xf32, #tpu.memory_space<vmem>>) offsets(%arg12 : memref<128xi32, #tpu.memory_space<vmem>>) semaphore(%arg15 : memref<!tpu.dma_semaphore, #tpu.memory_space<semaphore_mem>>)
      %dma_wait3A_322 = arith.constant 0 : i32
      %dma_wait3A_323 = arith.constant 0 : i32
      %dma_wait3A_324 = tpu.memref_slice %arg2[%dma_wait3A_322, %dma_wait3A_323] : memref<10240x128xf32, #tpu.memory_space<hbm>> -> memref<10240x128xf32, #tpu.memory_space<hbm>>
      tpu.wait_indirect_dma semaphore(%arg14 : memref<!tpu.dma_semaphore, #tpu.memory_space<semaphore_mem>>) src(%dma_wait3A_324 : memref<10240x128xf32, #tpu.memory_space<hbm>>) dst(%arg8 : memref<128x128xf32, #tpu.memory_space<vmem>>)
      "tpu.region"() ({
        %run_scoped3A = tpu.sem_alloc : memref<!tpu.dma_semaphore, #tpu.memory_space<semaphore_mem>>
        %dma_start3A_493 = arith.constant 0 : i32
        %dma_start3A_494 = arith.constant 0 : i32
        %dma_start3A_495 = tpu.memref_slice %arg6[%dma_start3A_493, %dma_start3A_494] : memref<10240x128xf32, #tpu.memory_space<vmem_shared>> -> memref<10240x128xf32, #tpu.memory_space<vmem_shared>>
        tpu.enqueue_indirect_dma source(%arg8 : memref<128x128xf32, #tpu.memory_space<vmem>>) target(%dma_start3A_495 : memref<10240x128xf32, #tpu.memory_space<vmem_shared>>) offsets(%arg11 : memref<128xi32, #tpu.memory_space<vmem>>) semaphore(%run_scoped3A : memref<!tpu.dma_semaphore, #tpu.memory_space<semaphore_mem>>) {add = true}
        %dma_wait3A_496 = arith.constant 0 : i32
        %dma_wait3A_497 = arith.constant 0 : i32
        %dma_wait3A_498 = tpu.memref_slice %arg6[%dma_wait3A_496, %dma_wait3A_497] : memref<10240x128xf32, #tpu.memory_space<vmem_shared>> -> memref<10240x128xf32, #tpu.memory_space<vmem_shared>>
        tpu.wait_indirect_dma semaphore(%run_scoped3A : memref<!tpu.dma_semaphore, #tpu.memory_space<semaphore_mem>>) src(%arg8 : memref<128x128xf32, #tpu.memory_space<vmem>>) dst(%dma_wait3A_498 : memref<10240x128xf32, #tpu.memory_space<vmem_shared>>)
        tpu.yield
      }) : () -> ()
      %add3A_325 = arith.constant 2 : i32
      %add3A_326 = arith.addi %mul3A_156, %add3A_325 : i32
      %mul3A_327 = arith.constant 128 : i32
      %mul3A_328 = arith.muli %add3A_326, %mul3A_327 : i32
      %add3A_329 = arith.constant 0 : i32
      %add3A_330 = arith.addi %mul3A_328, %add3A_329 : i32
      %get3A_331 = arith.index_cast %add3A_330 : i32 to index
      %get3A_332 = tpu.vector_load %arg7[%get3A_331] {strides = array<i32>} : memref<10368xi32, #tpu.memory_space<vmem>>, vector<16xi32>,
      %get3A_333 = vector.shape_cast %get3A_332 : vector<16xi32> to vector<16xi32>
      %and3A_334 = vector.broadcast %scan3A_141 : i32 to vector<16xi32>
      %and3A_335 = arith.andi %get3A_333, %and3A_334 : vector<16xi32>
      %swap3A_336 = arith.constant 0 : index
      %swap3A_337 = tpu.vector_load %arg10[%swap3A_336] {strides = array<i32>} : memref<128xi32, #tpu.memory_space<vmem>>, vector<16xi32>,
      %swap3A_338 = vector.shape_cast %swap3A_337 : vector<16xi32> to vector<16xi32>
      %swap3A_339 = vector.shape_cast %and3A_335 : vector<16xi32> to vector<16xi32>
      tpu.vector_store %arg10[%swap3A_336], %swap3A_339 {strides = array<i32>} : memref<128xi32, #tpu.memory_space<vmem>>, vector<16xi32>,
      %shift_right_logical3A_340 = arith.constant 16 : i32
      %shift_right_logical3A_341 = vector.broadcast %shift_right_logical3A_340 : i32 to vector<16xi32>
      %shift_right_logical3A_342 = arith.shrui %get3A_333, %shift_right_logical3A_341 : vector<16xi32>
      %swap3A_343 = arith.constant 0 : index
      %swap3A_344 = tpu.vector_load %arg11[%swap3A_343] {strides = array<i32>} : memref<128xi32, #tpu.memory_space<vmem>>, vector<16xi32>,
      %swap3A_345 = vector.shape_cast %swap3A_344 : vector<16xi32> to vector<16xi32>
      %swap3A_346 = vector.shape_cast %shift_right_logical3A_342 : vector<16xi32> to vector<16xi32>
      tpu.vector_store %arg11[%swap3A_343], %swap3A_346 {strides = array<i32>} : memref<128xi32, #tpu.memory_space<vmem>>, vector<16xi32>,
      %mul3A_347 = arith.constant 128 : i32
      %mul3A_348 = arith.muli %add3A_326, %mul3A_347 : i32
      %add3A_349 = arith.constant 16 : i32
      %add3A_350 = arith.addi %mul3A_348, %add3A_349 : i32
      %get3A_351 = arith.index_cast %add3A_350 : i32 to index
      %get3A_352 = tpu.vector_load %arg7[%get3A_351] {strides = array<i32>} : memref<10368xi32, #tpu.memory_space<vmem>>, vector<16xi32>,
      %get3A_353 = vector.shape_cast %get3A_352 : vector<16xi32> to vector<16xi32>
      %and3A_354 = vector.broadcast %scan3A_141 : i32 to vector<16xi32>
      %and3A_355 = arith.andi %get3A_353, %and3A_354 : vector<16xi32>
      %swap3A_356 = arith.constant 16 : index
      %swap3A_357 = tpu.vector_load %arg10[%swap3A_356] {strides = array<i32>} : memref<128xi32, #tpu.memory_space<vmem>>, vector<16xi32>,
      %swap3A_358 = vector.shape_cast %swap3A_357 : vector<16xi32> to vector<16xi32>
      %swap3A_359 = vector.shape_cast %and3A_355 : vector<16xi32> to vector<16xi32>
      tpu.vector_store %arg10[%swap3A_356], %swap3A_359 {strides = array<i32>} : memref<128xi32, #tpu.memory_space<vmem>>, vector<16xi32>,
      %shift_right_logical3A_360 = arith.constant 16 : i32
      %shift_right_logical3A_361 = vector.broadcast %shift_right_logical3A_360 : i32 to vector<16xi32>
      %shift_right_logical3A_362 = arith.shrui %get3A_353, %shift_right_logical3A_361 : vector<16xi32>
      %swap3A_363 = arith.constant 16 : index
      %swap3A_364 = tpu.vector_load %arg11[%swap3A_363] {strides = array<i32>} : memref<128xi32, #tpu.memory_space<vmem>>, vector<16xi32>,
      %swap3A_365 = vector.shape_cast %swap3A_364 : vector<16xi32> to vector<16xi32>
      %swap3A_366 = vector.shape_cast %shift_right_logical3A_362 : vector<16xi32> to vector<16xi32>
      tpu.vector_store %arg11[%swap3A_363], %swap3A_366 {strides = array<i32>} : memref<128xi32, #tpu.memory_space<vmem>>, vector<16xi32>,
      %mul3A_367 = arith.constant 128 : i32
      %mul3A_368 = arith.muli %add3A_326, %mul3A_367 : i32
      %add3A_369 = arith.constant 32 : i32
      %add3A_370 = arith.addi %mul3A_368, %add3A_369 : i32
      %get3A_371 = arith.index_cast %add3A_370 : i32 to index
      %get3A_372 = tpu.vector_load %arg7[%get3A_371] {strides = array<i32>} : memref<10368xi32, #tpu.memory_space<vmem>>, vector<16xi32>,
      %get3A_373 = vector.shape_cast %get3A_372 : vector<16xi32> to vector<16xi32>
      %and3A_374 = vector.broadcast %scan3A_141 : i32 to vector<16xi32>
      %and3A_375 = arith.andi %get3A_373, %and3A_374 : vector<16xi32>
      %swap3A_376 = arith.constant 32 : index
      %swap3A_377 = tpu.vector_load %arg10[%swap3A_376] {strides = array<i32>} : memref<128xi32, #tpu.memory_space<vmem>>, vector<16xi32>,
      %swap3A_378 = vector.shape_cast %swap3A_377 : vector<16xi32> to vector<16xi32>
      %swap3A_379 = vector.shape_cast %and3A_375 : vector<16xi32> to vector<16xi32>
      tpu.vector_store %arg10[%swap3A_376], %swap3A_379 {strides = array<i32>} : memref<128xi32, #tpu.memory_space<vmem>>, vector<16xi32>,
      %shift_right_logical3A_380 = arith.constant 16 : i32
      %shift_right_logical3A_381 = vector.broadcast %shift_right_logical3A_380 : i32 to vector<16xi32>
      %shift_right_logical3A_382 = arith.shrui %get3A_373, %shift_right_logical3A_381 : vector<16xi32>
      %swap3A_383 = arith.constant 32 : index
      %swap3A_384 = tpu.vector_load %arg11[%swap3A_383] {strides = array<i32>} : memref<128xi32, #tpu.memory_space<vmem>>, vector<16xi32>,
      %swap3A_385 = vector.shape_cast %swap3A_384 : vector<16xi32> to vector<16xi32>
      %swap3A_386 = vector.shape_cast %shift_right_logical3A_382 : vector<16xi32> to vector<16xi32>
      tpu.vector_store %arg11[%swap3A_383], %swap3A_386 {strides = array<i32>} : memref<128xi32, #tpu.memory_space<vmem>>, vector<16xi32>,
      %mul3A_387 = arith.constant 128 : i32
      %mul3A_388 = arith.muli %add3A_326, %mul3A_387 : i32
      %add3A_389 = arith.constant 48 : i32
      %add3A_390 = arith.addi %mul3A_388, %add3A_389 : i32
      %get3A_391 = arith.index_cast %add3A_390 : i32 to index
      %get3A_392 = tpu.vector_load %arg7[%get3A_391] {strides = array<i32>} : memref<10368xi32, #tpu.memory_space<vmem>>, vector<16xi32>,
      %get3A_393 = vector.shape_cast %get3A_392 : vector<16xi32> to vector<16xi32>
      %and3A_394 = vector.broadcast %scan3A_141 : i32 to vector<16xi32>
      %and3A_395 = arith.andi %get3A_393, %and3A_394 : vector<16xi32>
      %swap3A_396 = arith.constant 48 : index
      %swap3A_397 = tpu.vector_load %arg10[%swap3A_396] {strides = array<i32>} : memref<128xi32, #tpu.memory_space<vmem>>, vector<16xi32>,
      %swap3A_398 = vector.shape_cast %swap3A_397 : vector<16xi32> to vector<16xi32>
      %swap3A_399 = vector.shape_cast %and3A_395 : vector<16xi32> to vector<16xi32>
      tpu.vector_store %arg10[%swap3A_396], %swap3A_399 {strides = array<i32>} : memref<128xi32, #tpu.memory_space<vmem>>, vector<16xi32>,
      %shift_right_logical3A_400 = arith.constant 16 : i32
      %shift_right_logical3A_401 = vector.broadcast %shift_right_logical3A_400 : i32 to vector<16xi32>
      %shift_right_logical3A_402 = arith.shrui %get3A_393, %shift_right_logical3A_401 : vector<16xi32>
      %swap3A_403 = arith.constant 48 : index
      %swap3A_404 = tpu.vector_load %arg11[%swap3A_403] {strides = array<i32>} : memref<128xi32, #tpu.memory_space<vmem>>, vector<16xi32>,
      %swap3A_405 = vector.shape_cast %swap3A_404 : vector<16xi32> to vector<16xi32>
      %swap3A_406 = vector.shape_cast %shift_right_logical3A_402 : vector<16xi32> to vector<16xi32>
      tpu.vector_store %arg11[%swap3A_403], %swap3A_406 {strides = array<i32>} : memref<128xi32, #tpu.memory_space<vmem>>, vector<16xi32>,
      %mul3A_407 = arith.constant 128 : i32
      %mul3A_408 = arith.muli %add3A_326, %mul3A_407 : i32
      %add3A_409 = arith.constant 64 : i32
      %add3A_410 = arith.addi %mul3A_408, %add3A_409 : i32
      %get3A_411 = arith.index_cast %add3A_410 : i32 to index
      %get3A_412 = tpu.vector_load %arg7[%get3A_411] {strides = array<i32>} : memref<10368xi32, #tpu.memory_space<vmem>>, vector<16xi32>,
      %get3A_413 = vector.shape_cast %get3A_412 : vector<16xi32> to vector<16xi32>
      %and3A_414 = vector.broadcast %scan3A_141 : i32 to vector<16xi32>
      %and3A_415 = arith.andi %get3A_413, %and3A_414 : vector<16xi32>
      %swap3A_416 = arith.constant 64 : index
      %swap3A_417 = tpu.vector_load %arg10[%swap3A_416] {strides = array<i32>} : memref<128xi32, #tpu.memory_space<vmem>>, vector<16xi32>,
      %swap3A_418 = vector.shape_cast %swap3A_417 : vector<16xi32> to vector<16xi32>
      %swap3A_419 = vector.shape_cast %and3A_415 : vector<16xi32> to vector<16xi32>
      tpu.vector_store %arg10[%swap3A_416], %swap3A_419 {strides = array<i32>} : memref<128xi32, #tpu.memory_space<vmem>>, vector<16xi32>,
      %shift_right_logical3A_420 = arith.constant 16 : i32
      %shift_right_logical3A_421 = vector.broadcast %shift_right_logical3A_420 : i32 to vector<16xi32>
      %shift_right_logical3A_422 = arith.shrui %get3A_413, %shift_right_logical3A_421 : vector<16xi32>
      %swap3A_423 = arith.constant 64 : index
      %swap3A_424 = tpu.vector_load %arg11[%swap3A_423] {strides = array<i32>} : memref<128xi32, #tpu.memory_space<vmem>>, vector<16xi32>,
      %swap3A_425 = vector.shape_cast %swap3A_424 : vector<16xi32> to vector<16xi32>
      %swap3A_426 = vector.shape_cast %shift_right_logical3A_422 : vector<16xi32> to vector<16xi32>
      tpu.vector_store %arg11[%swap3A_423], %swap3A_426 {strides = array<i32>} : memref<128xi32, #tpu.memory_space<vmem>>, vector<16xi32>,
      %mul3A_427 = arith.constant 128 : i32
      %mul3A_428 = arith.muli %add3A_326, %mul3A_427 : i32
      %add3A_429 = arith.constant 80 : i32
      %add3A_430 = arith.addi %mul3A_428, %add3A_429 : i32
      %get3A_431 = arith.index_cast %add3A_430 : i32 to index
      %get3A_432 = tpu.vector_load %arg7[%get3A_431] {strides = array<i32>} : memref<10368xi32, #tpu.memory_space<vmem>>, vector<16xi32>,
      %get3A_433 = vector.shape_cast %get3A_432 : vector<16xi32> to vector<16xi32>
      %and3A_434 = vector.broadcast %scan3A_141 : i32 to vector<16xi32>
      %and3A_435 = arith.andi %get3A_433, %and3A_434 : vector<16xi32>
      %swap3A_436 = arith.constant 80 : index
      %swap3A_437 = tpu.vector_load %arg10[%swap3A_436] {strides = array<i32>} : memref<128xi32, #tpu.memory_space<vmem>>, vector<16xi32>,
      %swap3A_438 = vector.shape_cast %swap3A_437 : vector<16xi32> to vector<16xi32>
      %swap3A_439 = vector.shape_cast %and3A_435 : vector<16xi32> to vector<16xi32>
      tpu.vector_store %arg10[%swap3A_436], %swap3A_439 {strides = array<i32>} : memref<128xi32, #tpu.memory_space<vmem>>, vector<16xi32>,
      %shift_right_logical3A_440 = arith.constant 16 : i32
      %shift_right_logical3A_441 = vector.broadcast %shift_right_logical3A_440 : i32 to vector<16xi32>
      %shift_right_logical3A_442 = arith.shrui %get3A_433, %shift_right_logical3A_441 : vector<16xi32>
      %swap3A_443 = arith.constant 80 : index
      %swap3A_444 = tpu.vector_load %arg11[%swap3A_443] {strides = array<i32>} : memref<128xi32, #tpu.memory_space<vmem>>, vector<16xi32>,
      %swap3A_445 = vector.shape_cast %swap3A_444 : vector<16xi32> to vector<16xi32>
      %swap3A_446 = vector.shape_cast %shift_right_logical3A_442 : vector<16xi32> to vector<16xi32>
      tpu.vector_store %arg11[%swap3A_443], %swap3A_446 {strides = array<i32>} : memref<128xi32, #tpu.memory_space<vmem>>, vector<16xi32>,
      %mul3A_447 = arith.constant 128 : i32
      %mul3A_448 = arith.muli %add3A_326, %mul3A_447 : i32
      %add3A_449 = arith.constant 96 : i32
      %add3A_450 = arith.addi %mul3A_448, %add3A_449 : i32
      %get3A_451 = arith.index_cast %add3A_450 : i32 to index
      %get3A_452 = tpu.vector_load %arg7[%get3A_451] {strides = array<i32>} : memref<10368xi32, #tpu.memory_space<vmem>>, vector<16xi32>,
      %get3A_453 = vector.shape_cast %get3A_452 : vector<16xi32> to vector<16xi32>
      %and3A_454 = vector.broadcast %scan3A_141 : i32 to vector<16xi32>
      %and3A_455 = arith.andi %get3A_453, %and3A_454 : vector<16xi32>
      %swap3A_456 = arith.constant 96 : index
      %swap3A_457 = tpu.vector_load %arg10[%swap3A_456] {strides = array<i32>} : memref<128xi32, #tpu.memory_space<vmem>>, vector<16xi32>,
      %swap3A_458 = vector.shape_cast %swap3A_457 : vector<16xi32> to vector<16xi32>
      %swap3A_459 = vector.shape_cast %and3A_455 : vector<16xi32> to vector<16xi32>
      tpu.vector_store %arg10[%swap3A_456], %swap3A_459 {strides = array<i32>} : memref<128xi32, #tpu.memory_space<vmem>>, vector<16xi32>,
      %shift_right_logical3A_460 = arith.constant 16 : i32
      %shift_right_logical3A_461 = vector.broadcast %shift_right_logical3A_460 : i32 to vector<16xi32>
      %shift_right_logical3A_462 = arith.shrui %get3A_453, %shift_right_logical3A_461 : vector<16xi32>
      %swap3A_463 = arith.constant 96 : index
      %swap3A_464 = tpu.vector_load %arg11[%swap3A_463] {strides = array<i32>} : memref<128xi32, #tpu.memory_space<vmem>>, vector<16xi32>,
      %swap3A_465 = vector.shape_cast %swap3A_464 : vector<16xi32> to vector<16xi32>
      %swap3A_466 = vector.shape_cast %shift_right_logical3A_462 : vector<16xi32> to vector<16xi32>
      tpu.vector_store %arg11[%swap3A_463], %swap3A_466 {strides = array<i32>} : memref<128xi32, #tpu.memory_space<vmem>>, vector<16xi32>,
      %mul3A_467 = arith.constant 128 : i32
      %mul3A_468 = arith.muli %add3A_326, %mul3A_467 : i32
      %add3A_469 = arith.constant 112 : i32
      %add3A_470 = arith.addi %mul3A_468, %add3A_469 : i32
      %get3A_471 = arith.index_cast %add3A_470 : i32 to index
      %get3A_472 = tpu.vector_load %arg7[%get3A_471] {strides = array<i32>} : memref<10368xi32, #tpu.memory_space<vmem>>, vector<16xi32>,
      %get3A_473 = vector.shape_cast %get3A_472 : vector<16xi32> to vector<16xi32>
      %and3A_474 = vector.broadcast %scan3A_141 : i32 to vector<16xi32>
      %and3A_475 = arith.andi %get3A_473, %and3A_474 : vector<16xi32>
      %swap3A_476 = arith.constant 112 : index
      %swap3A_477 = tpu.vector_load %arg10[%swap3A_476] {strides = array<i32>} : memref<128xi32, #tpu.memory_space<vmem>>, vector<16xi32>,
      %swap3A_478 = vector.shape_cast %swap3A_477 : vector<16xi32> to vector<16xi32>
      %swap3A_479 = vector.shape_cast %and3A_475 : vector<16xi32> to vector<16xi32>
      tpu.vector_store %arg10[%swap3A_476], %swap3A_479 {strides = array<i32>} : memref<128xi32, #tpu.memory_space<vmem>>, vector<16xi32>,
      %shift_right_logical3A_480 = arith.constant 16 : i32
      %shift_right_logical3A_481 = vector.broadcast %shift_right_logical3A_480 : i32 to vector<16xi32>
      %shift_right_logical3A_482 = arith.shrui %get3A_473, %shift_right_logical3A_481 : vector<16xi32>
      %swap3A_483 = arith.constant 112 : index
      %swap3A_484 = tpu.vector_load %arg11[%swap3A_483] {strides = array<i32>} : memref<128xi32, #tpu.memory_space<vmem>>, vector<16xi32>,
      %swap3A_485 = vector.shape_cast %swap3A_484 : vector<16xi32> to vector<16xi32>
      %swap3A_486 = vector.shape_cast %shift_right_logical3A_482 : vector<16xi32> to vector<16xi32>
      tpu.vector_store %arg11[%swap3A_483], %swap3A_486 {strides = array<i32>} : memref<128xi32, #tpu.memory_space<vmem>>, vector<16xi32>,
      %dma_start3A_487 = arith.constant 0 : i32
      %dma_start3A_488 = arith.constant 0 : i32
      %dma_start3A_489 = tpu.memref_slice %arg2[%dma_start3A_487, %dma_start3A_488] : memref<10240x128xf32, #tpu.memory_space<hbm>> -> memref<10240x128xf32, #tpu.memory_space<hbm>>
      tpu.enqueue_indirect_dma source(%dma_start3A_489 : memref<10240x128xf32, #tpu.memory_space<hbm>>) target(%arg8 : memref<128x128xf32, #tpu.memory_space<vmem>>) offsets(%arg10 : memref<128xi32, #tpu.memory_space<vmem>>) semaphore(%arg14 : memref<!tpu.dma_semaphore, #tpu.memory_space<semaphore_mem>>)
      %dma_wait3A_490 = arith.constant 0 : i32
      %dma_wait3A_491 = arith.constant 0 : i32
      %dma_wait3A_492 = tpu.memref_slice %arg2[%dma_wait3A_490, %dma_wait3A_491] : memref<10240x128xf32, #tpu.memory_space<hbm>> -> memref<10240x128xf32, #tpu.memory_space<hbm>>
      tpu.wait_indirect_dma semaphore(%arg15 : memref<!tpu.dma_semaphore, #tpu.memory_space<semaphore_mem>>) src(%dma_wait3A_492 : memref<10240x128xf32, #tpu.memory_space<hbm>>) dst(%arg9 : memref<128x128xf32, #tpu.memory_space<vmem>>)
      "tpu.region"() ({
        %run_scoped3A = tpu.sem_alloc : memref<!tpu.dma_semaphore, #tpu.memory_space<semaphore_mem>>
        %dma_start3A_493 = arith.constant 0 : i32
        %dma_start3A_494 = arith.constant 0 : i32
        %dma_start3A_495 = tpu.memref_slice %arg6[%dma_start3A_493, %dma_start3A_494] : memref<10240x128xf32, #tpu.memory_space<vmem_shared>> -> memref<10240x128xf32, #tpu.memory_space<vmem_shared>>
        tpu.enqueue_indirect_dma source(%arg9 : memref<128x128xf32, #tpu.memory_space<vmem>>) target(%dma_start3A_495 : memref<10240x128xf32, #tpu.memory_space<vmem_shared>>) offsets(%arg13 : memref<128xi32, #tpu.memory_space<vmem>>) semaphore(%run_scoped3A : memref<!tpu.dma_semaphore, #tpu.memory_space<semaphore_mem>>) {add = true}
        %dma_wait3A_496 = arith.constant 0 : i32
        %dma_wait3A_497 = arith.constant 0 : i32
        %dma_wait3A_498 = tpu.memref_slice %arg6[%dma_wait3A_496, %dma_wait3A_497] : memref<10240x128xf32, #tpu.memory_space<vmem_shared>> -> memref<10240x128xf32, #tpu.memory_space<vmem_shared>>
        tpu.wait_indirect_dma semaphore(%run_scoped3A : memref<!tpu.dma_semaphore, #tpu.memory_space<semaphore_mem>>) src(%arg9 : memref<128x128xf32, #tpu.memory_space<vmem>>) dst(%dma_wait3A_498 : memref<10240x128xf32, #tpu.memory_space<vmem_shared>>)
        tpu.yield
      }) : () -> ()
    }
    %scan3A_146 = arith.constant 40 : i32
    %dma_wait3A = arith.constant 0 : i32
    %dma_wait3A_147 = arith.constant 0 : i32
    %dma_wait3A_148 = tpu.memref_slice %arg2[%dma_wait3A, %dma_wait3A_147] : memref<10240x128xf32, #tpu.memory_space<hbm>> -> memref<10240x128xf32, #tpu.memory_space<hbm>>
    tpu.wait_indirect_dma semaphore(%arg14 : memref<!tpu.dma_semaphore, #tpu.memory_space<semaphore_mem>>) src(%dma_wait3A_148 : memref<10240x128xf32, #tpu.memory_space<hbm>>) dst(%arg8 : memref<128x128xf32, #tpu.memory_space<vmem>>)
    %barrier3A_149 = arith.constant 0 : index
    tpu.barrier barrier_id(%barrier3A_149)
    %mul3A_150 = arith.constant 640 : i32
    %mul3A_151 = arith.muli %arg1, %mul3A_150 : i32
    %mul3A_152 = arith.constant 640 : i32
    %mul3A_153 = arith.muli %arg1, %mul3A_152 : i32
    "tpu.region"() ({
      %run_scoped3A = tpu.sem_alloc : memref<!tpu.dma_semaphore, #tpu.memory_space<semaphore_mem>>
      %dma_start3A_154 = arith.constant 0 : i32
      %dma_start3A_155 = tpu.memref_slice %arg5[%arg0, %mul3A_153, %dma_start3A_154] : memref<2x10240x128xf32, #tpu.memory_space<hbm>> -> memref<1x640x128xf32, #tpu.memory_space<hbm>>
      %dma_start3A_156 = tpu.memref_squeeze %dma_start3A_155 : memref<1x640x128xf32, #tpu.memory_space<hbm>> -> memref<640x128xf32, #tpu.memory_space<hbm>>
      %dma_start3A_157 = arith.constant 0 : i32
      %dma_start3A_158 = tpu.memref_slice %arg6[%mul3A_151, %dma_start3A_157] : memref<10240x128xf32, #tpu.memory_space<vmem_shared>> -> memref<640x128xf32, #tpu.memory_space<vmem_shared>>
      tpu.enqueue_dma source(%dma_start3A_158 : memref<640x128xf32, #tpu.memory_space<vmem_shared>>) target(%dma_start3A_156 : memref<640x128xf32, #tpu.memory_space<hbm>>) target_semaphore(%run_scoped3A : memref<!tpu.dma_semaphore, #tpu.memory_space<semaphore_mem>>)
      %dma_wait3A_159 = arith.constant 0 : i32
      %dma_wait3A_160 = tpu.memref_slice %arg5[%arg0, %mul3A_153, %dma_wait3A_159] : memref<2x10240x128xf32, #tpu.memory_space<hbm>> -> memref<1x640x128xf32, #tpu.memory_space<hbm>>
      %dma_wait3A_161 = tpu.memref_squeeze %dma_wait3A_160 : memref<1x640x128xf32, #tpu.memory_space<hbm>> -> memref<640x128xf32, #tpu.memory_space<hbm>>
      %dma_wait3A_162 = arith.constant 0 : i32
      %dma_wait3A_163 = tpu.memref_slice %arg6[%mul3A_151, %dma_wait3A_162] : memref<10240x128xf32, #tpu.memory_space<vmem_shared>> -> memref<640x128xf32, #tpu.memory_space<vmem_shared>>
      tpu.wait_dma2 semaphore(%run_scoped3A : memref<!tpu.dma_semaphore, #tpu.memory_space<semaphore_mem>>) src(%dma_wait3A_163 : memref<640x128xf32, #tpu.memory_space<vmem_shared>>) dst(%dma_wait3A_161 : memref<640x128xf32, #tpu.memory_space<hbm>>)
      tpu.yield
    }) : () -> ()
    return
  }
}

#map = affine_map<(d0, d1) -> (0, 0, 0)>
#map1 = affine_map<(d0, d1) -> (0)>
#map2 = affine_map<(d0, d1) -> (0, 0)>
module attributes {stable_mosaic.version = 14 : i64} {
  func.func @_deg_kernel_body(%arg0: i32, %arg1: i32, %arg2: memref<32x80x128xi32, #tpu.memory_space<hbm>>, %arg3: memref<640xf32, #tpu.memory_space<hbm>>, %arg4: memref<128xf32, #tpu.memory_space<hbm>>, %arg5: memref<2x10240xf32, #tpu.memory_space<hbm>>, %arg6: memref<10240xf32, #tpu.memory_space<vmem_shared>>, %arg7: memref<80x128xi32, #tpu.memory_space<vmem>>, %arg8: memref<128xf32, #tpu.memory_space<vmem>>) attributes {dimension_semantics = [#tpu.dimension_semantics<core_parallel>, #tpu.dimension_semantics<subcore_parallel>], iteration_bounds = array<i64: 2, 16>, scalar_prefetch = 0 : i64, scratch_operands = 3 : i64, tpu.core_type = #tpu.core_type<sc_vector_subcore>, window_params = [{transform_indices = #map}, {transform_indices = #map1}, {transform_indices = #map1}, {transform_indices = #map2}]} {
    %mul3A = arith.constant 16 : i32
    %mul3A_0 = arith.muli %arg0, %mul3A : i32
    %add3A = arith.addi %mul3A_0, %arg1 : i32
    %mul3A_1 = arith.constant 640 : i32
    %mul3A_2 = arith.muli %arg1, %mul3A_1 : i32
    "tpu.region"() ({
      %run_scoped3A = tpu.sem_alloc : memref<!tpu.dma_semaphore, #tpu.memory_space<semaphore_mem>>
      %dma_start3A = tpu.memref_slice %arg6[%mul3A_2] : memref<10240xf32, #tpu.memory_space<vmem_shared>> -> memref<640xf32, #tpu.memory_space<vmem_shared>>
      %dma_start3A_13 = arith.constant 0 : i32
      %dma_start3A_14 = tpu.memref_slice %arg3[%dma_start3A_13] : memref<640xf32, #tpu.memory_space<hbm>> -> memref<640xf32, #tpu.memory_space<hbm>>
      tpu.enqueue_dma source(%dma_start3A_14 : memref<640xf32, #tpu.memory_space<hbm>>) target(%dma_start3A : memref<640xf32, #tpu.memory_space<vmem_shared>>) target_semaphore(%run_scoped3A : memref<!tpu.dma_semaphore, #tpu.memory_space<semaphore_mem>>)
      %dma_wait3A = tpu.memref_slice %arg6[%mul3A_2] : memref<10240xf32, #tpu.memory_space<vmem_shared>> -> memref<640xf32, #tpu.memory_space<vmem_shared>>
      %dma_wait3A_15 = arith.constant 0 : i32
      %dma_wait3A_16 = tpu.memref_slice %arg3[%dma_wait3A_15] : memref<640xf32, #tpu.memory_space<hbm>> -> memref<640xf32, #tpu.memory_space<hbm>>
      tpu.wait_dma2 semaphore(%run_scoped3A : memref<!tpu.dma_semaphore, #tpu.memory_space<semaphore_mem>>) src(%dma_wait3A_16 : memref<640xf32, #tpu.memory_space<hbm>>) dst(%dma_wait3A : memref<640xf32, #tpu.memory_space<vmem_shared>>)
      tpu.yield
    }) : () -> ()
    "tpu.region"() ({
      %run_scoped3A = tpu.sem_alloc : memref<!tpu.dma_semaphore, #tpu.memory_space<semaphore_mem>>
      tpu.enqueue_dma source(%arg4 : memref<128xf32, #tpu.memory_space<hbm>>) target(%arg8 : memref<128xf32, #tpu.memory_space<vmem>>) target_semaphore(%run_scoped3A : memref<!tpu.dma_semaphore, #tpu.memory_space<semaphore_mem>>)
      tpu.wait_dma2 semaphore(%run_scoped3A : memref<!tpu.dma_semaphore, #tpu.memory_space<semaphore_mem>>) src(%arg4 : memref<128xf32, #tpu.memory_space<hbm>>) dst(%arg8 : memref<128xf32, #tpu.memory_space<vmem>>)
      tpu.yield
    }) : () -> ()
    "tpu.region"() ({
      %run_scoped3A = tpu.sem_alloc : memref<!tpu.dma_semaphore, #tpu.memory_space<semaphore_mem>>
      %dma_start3A = arith.constant 0 : i32
      %dma_start3A_13 = arith.constant 0 : i32
      %dma_start3A_14 = tpu.memref_slice %arg2[%add3A, %dma_start3A, %dma_start3A_13] : memref<32x80x128xi32, #tpu.memory_space<hbm>> -> memref<1x80x128xi32, #tpu.memory_space<hbm>>
      %dma_start3A_15 = tpu.memref_squeeze %dma_start3A_14 : memref<1x80x128xi32, #tpu.memory_space<hbm>> -> memref<80x128xi32, #tpu.memory_space<hbm>>
      %dma_start3A_16 = arith.constant 0 : i32
      %dma_start3A_17 = arith.constant 0 : i32
      %dma_start3A_18 = tpu.memref_slice %arg2[%add3A, %dma_start3A_16, %dma_start3A_17] : memref<32x80x128xi32, #tpu.memory_space<hbm>> -> memref<1x80x128xi32, #tpu.memory_space<hbm>>
      %dma_start3A_19 = tpu.memref_squeeze %dma_start3A_18 : memref<1x80x128xi32, #tpu.memory_space<hbm>> -> memref<80x128xi32, #tpu.memory_space<hbm>>
      tpu.enqueue_dma source(%dma_start3A_19 : memref<80x128xi32, #tpu.memory_space<hbm>>) target(%arg7 : memref<80x128xi32, #tpu.memory_space<vmem>>) target_semaphore(%run_scoped3A : memref<!tpu.dma_semaphore, #tpu.memory_space<semaphore_mem>>)
      %dma_wait3A = arith.constant 0 : i32
      %dma_wait3A_20 = arith.constant 0 : i32
      %dma_wait3A_21 = tpu.memref_slice %arg2[%add3A, %dma_wait3A, %dma_wait3A_20] : memref<32x80x128xi32, #tpu.memory_space<hbm>> -> memref<1x80x128xi32, #tpu.memory_space<hbm>>
      %dma_wait3A_22 = tpu.memref_squeeze %dma_wait3A_21 : memref<1x80x128xi32, #tpu.memory_space<hbm>> -> memref<80x128xi32, #tpu.memory_space<hbm>>
      %dma_wait3A_23 = arith.constant 0 : i32
      %dma_wait3A_24 = arith.constant 0 : i32
      %dma_wait3A_25 = tpu.memref_slice %arg2[%add3A, %dma_wait3A_23, %dma_wait3A_24] : memref<32x80x128xi32, #tpu.memory_space<hbm>> -> memref<1x80x128xi32, #tpu.memory_space<hbm>>
      %dma_wait3A_26 = tpu.memref_squeeze %dma_wait3A_25 : memref<1x80x128xi32, #tpu.memory_space<hbm>> -> memref<80x128xi32, #tpu.memory_space<hbm>>
      tpu.wait_dma2 semaphore(%run_scoped3A : memref<!tpu.dma_semaphore, #tpu.memory_space<semaphore_mem>>) src(%dma_wait3A_26 : memref<80x128xi32, #tpu.memory_space<hbm>>) dst(%arg7 : memref<80x128xi32, #tpu.memory_space<vmem>>)
      tpu.yield
    }) : () -> ()
    %barrier3A = arith.constant 0 : index
    tpu.barrier barrier_id(%barrier3A)
    %scan3A = arith.constant 0 : i32
    %scan3A_3 = arith.constant 0 : i32
    %scan3A_4 = arith.constant 80 : i32
    %scan3A_5 = arith.addi %scan3A_3, %scan3A_4 : i32
    %scan3A_6 = arith.constant 1 : i32
    scf.for %scan3A_13 = %scan3A_3 to %scan3A_5 step %scan3A_6  : i32 {
      "tpu.region"() ({
        %run_scoped3A = tpu.sem_alloc : memref<!tpu.dma_semaphore, #tpu.memory_space<semaphore_mem>>
        %dma_start3A = arith.constant 0 : i32
        %dma_start3A_14 = tpu.memref_slice %arg7[%scan3A_13, %dma_start3A] : memref<80x128xi32, #tpu.memory_space<vmem>> -> memref<1x128xi32, #tpu.memory_space<vmem>>
        %dma_start3A_15 = tpu.memref_squeeze %dma_start3A_14 : memref<1x128xi32, #tpu.memory_space<vmem>> -> memref<128xi32, #tpu.memory_space<vmem>>
        %dma_start3A_16 = arith.constant 0 : i32
        %dma_start3A_17 = tpu.memref_slice %arg6[%dma_start3A_16] : memref<10240xf32, #tpu.memory_space<vmem_shared>> -> memref<10240xf32, #tpu.memory_space<vmem_shared>>
        tpu.enqueue_indirect_dma source(%arg8 : memref<128xf32, #tpu.memory_space<vmem>>) target(%dma_start3A_17 : memref<10240xf32, #tpu.memory_space<vmem_shared>>) offsets(%dma_start3A_15 : memref<128xi32, #tpu.memory_space<vmem>>) semaphore(%run_scoped3A : memref<!tpu.dma_semaphore, #tpu.memory_space<semaphore_mem>>) {add = true}
        %dma_wait3A = arith.constant 0 : i32
        %dma_wait3A_18 = tpu.memref_slice %arg7[%scan3A_13, %dma_wait3A] : memref<80x128xi32, #tpu.memory_space<vmem>> -> memref<1x128xi32, #tpu.memory_space<vmem>>
        %dma_wait3A_19 = tpu.memref_squeeze %dma_wait3A_18 : memref<1x128xi32, #tpu.memory_space<vmem>> -> memref<128xi32, #tpu.memory_space<vmem>>
        %dma_wait3A_20 = arith.constant 0 : i32
        %dma_wait3A_21 = tpu.memref_slice %arg6[%dma_wait3A_20] : memref<10240xf32, #tpu.memory_space<vmem_shared>> -> memref<10240xf32, #tpu.memory_space<vmem_shared>>
        tpu.wait_indirect_dma semaphore(%run_scoped3A : memref<!tpu.dma_semaphore, #tpu.memory_space<semaphore_mem>>) src(%arg8 : memref<128xf32, #tpu.memory_space<vmem>>) dst(%dma_wait3A_21 : memref<10240xf32, #tpu.memory_space<vmem_shared>>)
        tpu.yield
      }) : () -> ()
    }
    %scan3A_7 = arith.constant 80 : i32
    %barrier3A_8 = arith.constant 0 : index
    tpu.barrier barrier_id(%barrier3A_8)
    %mul3A_9 = arith.constant 640 : i32
    %mul3A_10 = arith.muli %arg1, %mul3A_9 : i32
    %mul3A_11 = arith.constant 640 : i32
    %mul3A_12 = arith.muli %arg1, %mul3A_11 : i32
    "tpu.region"() ({
      %run_scoped3A = tpu.sem_alloc : memref<!tpu.dma_semaphore, #tpu.memory_space<semaphore_mem>>
      %dma_start3A = tpu.memref_slice %arg5[%arg0, %mul3A_12] : memref<2x10240xf32, #tpu.memory_space<hbm>> -> memref<1x640xf32, #tpu.memory_space<hbm>>
      %dma_start3A_13 = tpu.memref_squeeze %dma_start3A : memref<1x640xf32, #tpu.memory_space<hbm>> -> memref<640xf32, #tpu.memory_space<hbm>>
      %dma_start3A_14 = tpu.memref_slice %arg6[%mul3A_10] : memref<10240xf32, #tpu.memory_space<vmem_shared>> -> memref<640xf32, #tpu.memory_space<vmem_shared>>
      tpu.enqueue_dma source(%dma_start3A_14 : memref<640xf32, #tpu.memory_space<vmem_shared>>) target(%dma_start3A_13 : memref<640xf32, #tpu.memory_space<hbm>>) target_semaphore(%run_scoped3A : memref<!tpu.dma_semaphore, #tpu.memory_space<semaphore_mem>>)
      %dma_wait3A = tpu.memref_slice %arg5[%arg0, %mul3A_12] : memref<2x10240xf32, #tpu.memory_space<hbm>> -> memref<1x640xf32, #tpu.memory_space<hbm>>
      %dma_wait3A_15 = tpu.memref_squeeze %dma_wait3A : memref<1x640xf32, #tpu.memory_space<hbm>> -> memref<640xf32, #tpu.memory_space<hbm>>
      %dma_wait3A_16 = tpu.memref_slice %arg6[%mul3A_10] : memref<10240xf32, #tpu.memory_space<vmem_shared>> -> memref<640xf32, #tpu.memory_space<vmem_shared>>
      tpu.wait_dma2 semaphore(%run_scoped3A : memref<!tpu.dma_semaphore, #tpu.memory_space<semaphore_mem>>) src(%dma_wait3A_16 : memref<640xf32, #tpu.memory_space<vmem_shared>>) dst(%dma_wait3A_15 : memref<640xf32, #tpu.memory_space<hbm>>)
      tpu.yield
    }) : () -> ()
    return
  }
}

module attributes {stable_mosaic.version = 14 : i64} {
  func.func @_scale_body(%arg0: i32, %arg1: memref<1280x128xf32, #tpu.memory_space<vmem>>, %arg2: memref<2x1280xf32, #tpu.memory_space<vmem>>, %arg3: memref<1280x128xf32, #tpu.memory_space<vmem>>) attributes {dimension_semantics = [#tpu.dimension_semantics<arbitrary>], iteration_bounds = array<i64: 8>, scalar_prefetch = 0 : i64, scratch_operands = 0 : i64, tpu.core_type = #tpu.core_type<tc>, window_params = [{transform_indices = @transform_0, window_bounds = array<i64: 1280, 128>}, {transform_indices = @transform_1, window_bounds = array<i64: 2, 1280>}, {transform_indices = @transform_2, window_bounds = array<i64: 1280, 128>}]} {
    %get3A = arith.constant 0 : index
    %get3A_0 = arith.constant 0 : index
    %get3A_1 = vector.load %arg2[%get3A, %get3A_0] : memref<2x1280xf32, #tpu.memory_space<vmem>>, vector<1x1280xf32>
    %get3A_2 = vector.shape_cast %get3A_1 : vector<1x1280xf32> to vector<1280xf32>
    %get3A_3 = arith.constant 1 : index
    %get3A_4 = arith.constant 0 : index
    %get3A_5 = vector.load %arg2[%get3A_3, %get3A_4] : memref<2x1280xf32, #tpu.memory_space<vmem>>, vector<1x1280xf32>
    %get3A_6 = vector.shape_cast %get3A_5 : vector<1x1280xf32> to vector<1280xf32>
    %add3A = arith.addf %get3A_2, %get3A_6 : vector<1280xf32>
    %add3A_7 = arith.constant 1.000000e+00 : f32
    %add3A_8 = vector.broadcast %add3A_7 : f32 to vector<1280xf32>
    %add3A_9 = arith.addf %add3A, %add3A_8 : vector<1280xf32>
    %rsqrt3A = math.rsqrt %add3A_9 : vector<1280xf32>
    %get3A_10 = arith.constant 0 : index
    %get3A_11 = arith.constant 0 : index
    %get3A_12 = vector.load %arg1[%get3A_10, %get3A_11] : memref<1280x128xf32, #tpu.memory_space<vmem>>, vector<1280x128xf32>
    %broadcast_in_dim3A = vector.shape_cast %rsqrt3A : vector<1280xf32> to vector<1280x1xf32>
    %mul3A = vector.broadcast %broadcast_in_dim3A : vector<1280x1xf32> to vector<1280x128xf32>
    %mul3A_13 = arith.mulf %get3A_12, %mul3A : vector<1280x128xf32>
    %swap3A = arith.constant 0 : index
    %swap3A_14 = arith.constant 0 : index
    %swap3A_15 = vector.load %arg3[%swap3A, %swap3A_14] : memref<1280x128xf32, #tpu.memory_space<vmem>>, vector<1280x128xf32>
    tpu.vector_store %arg3[%swap3A, %swap3A_14], %mul3A_13 {strides = array<i32>} : memref<1280x128xf32, #tpu.memory_space<vmem>>, vector<1280x128xf32>,
    return
  }
  func.func @transform_0(%arg0: i32) -> (i32, i32) {
    %c0_i32 = arith.constant 0 : i32
    %c0_i32_0 = arith.constant 0 : i32
    return %arg0, %c0_i32 : i32, i32
  }
  func.func @transform_1(%arg0: i32) -> (i32, i32) {
    %c0_i32 = arith.constant 0 : i32
    %c0_i32_0 = arith.constant 0 : i32
    return %c0_i32, %arg0 : i32, i32
  }
  func.func @transform_2(%arg0: i32) -> (i32, i32) {
    %c0_i32 = arith.constant 0 : i32
    %c0_i32_0 = arith.constant 0 : i32
    return %arg0, %c0_i32 : i32, i32
  }
}

module attributes {stable_mosaic.version = 14 : i64} {
  func.func @_final_body(%arg0: i32, %arg1: memref<2x1280x128xf32, #tpu.memory_space<vmem>>, %arg2: memref<1280x128xf32, #tpu.memory_space<vmem>>, %arg3: memref<2x1280xf32, #tpu.memory_space<vmem>>, %arg4: memref<1280x128xf32, #tpu.memory_space<vmem>>) attributes {dimension_semantics = [#tpu.dimension_semantics<arbitrary>], iteration_bounds = array<i64: 8>, scalar_prefetch = 0 : i64, scratch_operands = 0 : i64, tpu.core_type = #tpu.core_type<tc>, window_params = [{transform_indices = @transform_0, window_bounds = array<i64: 2, 1280, 128>}, {transform_indices = @transform_1, window_bounds = array<i64: 1280, 128>}, {transform_indices = @transform_2, window_bounds = array<i64: 2, 1280>}, {transform_indices = @transform_3, window_bounds = array<i64: 1280, 128>}]} {
    %get3A = arith.constant 0 : index
    %get3A_0 = arith.constant 0 : index
    %get3A_1 = vector.load %arg3[%get3A, %get3A_0] : memref<2x1280xf32, #tpu.memory_space<vmem>>, vector<1x1280xf32>
    %get3A_2 = vector.shape_cast %get3A_1 : vector<1x1280xf32> to vector<1280xf32>
    %get3A_3 = arith.constant 1 : index
    %get3A_4 = arith.constant 0 : index
    %get3A_5 = vector.load %arg3[%get3A_3, %get3A_4] : memref<2x1280xf32, #tpu.memory_space<vmem>>, vector<1x1280xf32>
    %get3A_6 = vector.shape_cast %get3A_5 : vector<1x1280xf32> to vector<1280xf32>
    %add3A = arith.addf %get3A_2, %get3A_6 : vector<1280xf32>
    %add3A_7 = arith.constant 1.000000e+00 : f32
    %add3A_8 = vector.broadcast %add3A_7 : f32 to vector<1280xf32>
    %add3A_9 = arith.addf %add3A, %add3A_8 : vector<1280xf32>
    %rsqrt3A = math.rsqrt %add3A_9 : vector<1280xf32>
    %get3A_10 = arith.constant 0 : index
    %get3A_11 = arith.constant 0 : index
    %get3A_12 = arith.constant 0 : index
    %get3A_13 = vector.load %arg1[%get3A_10, %get3A_11, %get3A_12] : memref<2x1280x128xf32, #tpu.memory_space<vmem>>, vector<1x1280x128xf32>
    %get3A_14 = vector.shape_cast %get3A_13 : vector<1x1280x128xf32> to vector<1280x128xf32>
    %get3A_15 = arith.constant 1 : index
    %get3A_16 = arith.constant 0 : index
    %get3A_17 = arith.constant 0 : index
    %get3A_18 = vector.load %arg1[%get3A_15, %get3A_16, %get3A_17] : memref<2x1280x128xf32, #tpu.memory_space<vmem>>, vector<1x1280x128xf32>
    %get3A_19 = vector.shape_cast %get3A_18 : vector<1x1280x128xf32> to vector<1280x128xf32>
    %add3A_20 = arith.addf %get3A_14, %get3A_19 : vector<1280x128xf32>
    %get3A_21 = arith.constant 0 : index
    %get3A_22 = arith.constant 0 : index
    %get3A_23 = vector.load %arg2[%get3A_21, %get3A_22] : memref<1280x128xf32, #tpu.memory_space<vmem>>, vector<1280x128xf32>
    %add3A_24 = arith.addf %add3A_20, %get3A_23 : vector<1280x128xf32>
    %broadcast_in_dim3A = vector.shape_cast %rsqrt3A : vector<1280xf32> to vector<1280x1xf32>
    %mul3A = vector.broadcast %broadcast_in_dim3A : vector<1280x1xf32> to vector<1280x128xf32>
    %mul3A_25 = arith.mulf %add3A_24, %mul3A : vector<1280x128xf32>
    %swap3A = arith.constant 0 : index
    %swap3A_26 = arith.constant 0 : index
    %swap3A_27 = vector.load %arg4[%swap3A, %swap3A_26] : memref<1280x128xf32, #tpu.memory_space<vmem>>, vector<1280x128xf32>
    tpu.vector_store %arg4[%swap3A, %swap3A_26], %mul3A_25 {strides = array<i32>} : memref<1280x128xf32, #tpu.memory_space<vmem>>, vector<1280x128xf32>,
    return
  }
  func.func @transform_0(%arg0: i32) -> (i32, i32, i32) {
    %c0_i32 = arith.constant 0 : i32
    %c0_i32_0 = arith.constant 0 : i32
    %c0_i32_1 = arith.constant 0 : i32
    return %c0_i32, %arg0, %c0_i32_0 : i32, i32, i32
  }
  func.func @transform_1(%arg0: i32) -> (i32, i32) {
    %c0_i32 = arith.constant 0 : i32
    %c0_i32_0 = arith.constant 0 : i32
    return %arg0, %c0_i32 : i32, i32
  }
  func.func @transform_2(%arg0: i32) -> (i32, i32) {
    %c0_i32 = arith.constant 0 : i32
    %c0_i32_0 = arith.constant 0 : i32
    return %c0_i32, %arg0 : i32, i32
  }
  func.func @transform_3(%arg0: i32) -> (i32, i32) {
    %c0_i32 = arith.constant 0 : i32
    %c0_i32_0 = arith.constant 0 : i32
    return %arg0, %c0_i32 : i32, i32
  }
}

</mosaic_0001>

<sc_bundles>
// kernel: kernel.6.cloned.1.call-start
scs
__scs_entry_jumppad:
0x0: {  	(pc) =	sbr.rel $0x88, $3  }
0x1: {  	(tag) =	ssettag $0x0;
	lr =	simm.s32 $0x1  }
0x2: {  	[smem:$0x3F9F] =	sst lr;
	_ =	strace $0xD0000000  }
0x3: {  	_ = 	snop  }
0x4: {  	_ = 	snop  }
0x5: {  	_ = 	snop  }
0x6: {  	_ = 	snop  }
0x7: {  	_ = 	snop  }
__scs_overlays_trampoline_lowered:
0x8: {  	[smem:$0x3FAE] =	sst s0  }
0x9: {  	[smem:$0x3FAF] =	sst s1  }
0xa: {  	[smem:$0x3FB0] =	sst s2  }
0xb: {  	[smem:$0x3FB1] =	sst s3  }
0xc: {  	[smem:$0x3FB2] =	sst s4  }
0xd: {  	[smem:$0x3FB3] =	sst s5  }
0xe: {  	[smem:$0x3FB4] =	sst s6  }
0xf: {  	[smem:$0x3FB5] =	sst s7  }
0x10: {  	[smem:$0x3FB6] =	sst s8  }
0x11: {  	[smem:$0x3FB7] =	sst s9;
	s0 =	simm.s32 @!p0 $0x0  }
0x12: {  	s1 =	sld [smem:$0x3F9D];
	s0 =	simm.s32 @p0 $0x1  }
0x13: {  	[smem:$0x3FB8] =	sst s0;
	s0 =	simm.s32 @!p1 $0x0  }
0x14: {  	s2 =	sld [smem:$0x3F9C];
	s0 =	simm.s32 @p1 $0x1  }
0x15: {  	[smem:$0x3FB9] =	sst s0;
	s0 =	simm.s32 @!p2 $0x0  }
0x16: {  	s3 =	sld [smem:$0x3FDB];
	s0 =	simm.s32 @p2 $0x1  }
0x17: {  	s4 =	simm.s32 $0x1BF5;
	[smem:$0x3FBB] =	sst s0  }
0x18: {  	s0 =	sld [smem:$0x3F9E];
	_ =	swait.ge [sflag:s4], $0x0  }
0x19: {  	s7 =	sld [smem:$0x3F9F]  }
0x1a: {  	s8 =	sadd.s32 $0xFFFFE003, lr  }
0x1b: {  	s9 =	sadd.s32 $0xFFFFFEF7, lr;
	s5 =	simm.s32 $0xFFFFFFFF;
	p2 =	slt.u32 s8, $0xFFFFF086  }
0x1c: {  	p1 =	slt.u32 s9, $0xF7A;
	s5 =	simm.s32 @!p2 $0x0  }
0x1d: {  	s5 =	simm.s32 @p1 $0x1;
	p0 =	seq.s32 s7, s2  }
0x1e: {  	s7 =	smul.u32 @!p0 $0xF7A, s2;
	p2 =	seq.s32 @!p0 s5, $0x0  }
0x1f: {  	s9 =	smul.u32 $0xF7A, s1;
	s8 =	simm.s32 @!p0 $0x1BF5;
	p2 =	por !p2, p0  }
0x20: {  	[sflag:s8] =	ssyncset.s32 @!p0 $0xFFFFF086;
	s6 =	sadd.s32 @!p0 s3, s7;
	s7 =	simm.s32 @!p0 $0x108  }
0x21: {  	s3 =	sadd.s32 s3, s9;
	s6 =	sadd.s32 @!p0 $0x88, s6;
	s7 =	simm.s32 @p2 $0x1082  }
0x22: {  	[simem:s7], [sflag:s8] =	dma.local @!p0 [hbm:s6], $0xF7A  }
0x23: {  	s9 =	sor.u32 $0xD0000000, s2;
	s6 =	simm.s32 $0x108;
	_ =	swait.ge @!p0 [sflag:s8], $0x0  }
0x24: {  	s3 =	sadd.s32 $0x88, s3;
	s6 =	simm.s32 @!p1 $0x1082;
	[sflag:s4] =	ssyncset.s32 $0xFFFFF086  }
0x25: {  	[simem:s6], [sflag:s4] =	dma.local [hbm:s3], $0xF7A  }
0x26: {  	[smem:$0x3F9F] =	sst s1;
	(tag) =	ssettag s2;
	_ =	strace s9  }
0x27: {  	s1 =	sld [smem:$0x3FAF]  }
0x28: {  	s2 =	sld [smem:$0x3FB0]  }
0x29: {  	s4 =	sld [smem:$0x3FB2]  }
0x2a: {  	p0 =	seq.s32 s5, $0x0;
	s5 =	sld [smem:$0x3FB3]  }
0x2b: {  	s6 =	sld [smem:$0x3FB4]  }
0x2c: {  	s7 =	sld [smem:$0x3FB5]  }
0x2d: {  	s3 =	simm.s32 $0x108;
	s8 =	sld [smem:$0x3FB6]  }
0x2e: {  	s3 =	simm.s32 @!p0 $0x1082;
	s9 =	sld [smem:$0x3FB7]  }
0x2f: {  	lr =	sadd.s32 s0, s3;
	s0 =	sld [smem:$0x3FAE]  }
0x30: {  	s3 =	sld [smem:$0x3FB1]  }
0x31: {  	[smem:$0x3FBA] =	sst s10  }
0x32: {  	s10 =	sld [smem:$0x3FB8];
	_ =	sdelay $0x3  }
0x33: {  	p0 =	seq.s32 s10, $0x1;
	s10 =	sld [smem:$0x3FBA];
	_ =	sdelay $0x3  }
0x34: {  	[smem:$0x3FBA] =	sst s10  }
0x35: {  	s10 =	sld [smem:$0x3FB9];
	_ =	sdelay $0x3  }
0x36: {  	p1 =	seq.s32 s10, $0x1;
	s10 =	sld [smem:$0x3FBA];
	_ =	sdelay $0x3  }
0x37: {  	[smem:$0x3FBA] =	sst s10  }
0x38: {  	s10 =	sld [smem:$0x3FBB]  }
0x39: {  	_ = 	snop;
	(pc) =	sbr.ind lr, $3  }
0x3a: {  	_ = 	snop  }
0x3b: {  	_ = 	snop  }
0x3c: {  	p2 =	seq.s32 s10, $0x1;
	s10 =	sld [smem:$0x3FBA]  }
0x3d: {  	_ =	shalt  }
0x3e: {  	_ =	shalt  }
0x3f: {  	_ =	shalt  }
0x40: {  	_ =	shalt  }
0x41: {  	_ =	shalt  }
0x42: {  	_ =	shalt  }
0x43: {  	_ =	shalt  }
0x44: {  	_ =	shalt  }
0x45: {  	_ =	shalt  }
0x46: {  	_ =	shalt  }
0x47: {  	_ =	shalt  }
0x48: {  	_ =	shalt  }
0x49: {  	_ =	shalt  }
0x4a: {  	_ =	shalt  }
0x4b: {  	_ =	shalt  }
0x4c: {  	_ =	shalt  }
0x4d: {  	_ =	shalt  }
0x4e: {  	_ =	shalt  }
0x4f: {  	_ =	shalt  }
0x50: {  	_ =	shalt  }
0x51: {  	_ =	shalt  }
0x52: {  	_ =	shalt  }
0x53: {  	_ =	shalt  }
0x54: {  	_ =	shalt  }
0x55: {  	_ =	shalt  }
0x56: {  	_ =	shalt  }
0x57: {  	_ =	shalt  }
0x58: {  	_ =	shalt  }
0x59: {  	_ =	shalt  }
0x5a: {  	_ =	shalt  }
0x5b: {  	_ =	shalt  }
0x5c: {  	_ =	shalt  }
0x5d: {  	_ =	shalt  }
0x5e: {  	_ =	shalt  }
0x5f: {  	_ =	shalt  }
0x60: {  	_ =	shalt  }
0x61: {  	_ =	shalt  }
0x62: {  	_ =	shalt  }
0x63: {  	_ =	shalt  }
0x64: {  	_ =	shalt  }
0x65: {  	_ =	shalt  }
0x66: {  	_ =	shalt  }
0x67: {  	_ =	shalt  }
0x68: {  	_ =	shalt  }
0x69: {  	_ =	shalt  }
0x6a: {  	_ =	shalt  }
0x6b: {  	_ =	shalt  }
0x6c: {  	_ =	shalt  }
0x6d: {  	_ =	shalt  }
0x6e: {  	_ =	shalt  }
0x6f: {  	_ =	shalt  }
0x70: {  	_ =	shalt  }
0x71: {  	_ =	shalt  }
0x72: {  	_ =	shalt  }
0x73: {  	_ =	shalt  }
0x74: {  	_ =	shalt  }
0x75: {  	_ =	shalt  }
0x76: {  	_ =	shalt  }
0x77: {  	_ =	shalt  }
0x78: {  	_ =	shalt  }
0x79: {  	_ =	shalt  }
0x7a: {  	_ =	shalt  }
0x7b: {  	_ =	shalt  }
0x7c: {  	_ =	shalt  }
0x7d: {  	_ =	shalt  }
0x7e: {  	_ =	shalt  }
0x7f: {  	_ =	shalt  }
0x80: {  	_ =	shalt  }
0x81: {  	_ =	shalt  }
0x82: {  	_ =	shalt  }
0x83: {  	_ =	shalt  }
0x84: {  	_ =	shalt  }
0x85: {  	_ =	shalt  }
0x86: {  	_ =	shalt  }
0x87: {  	_ =	shalt  }
.Lfunc_end0:
.L_simem_size_0:
called_computation_lowered:
.L_overlay_start_0:
0x88: {  	s2 =	sld [smem:$0x3FD9]  }
0x89: {  	s3 =	sld [smem:$0x3FFE];
	_ =	sdelay $0x1  }
0x8a: {  	s1 =	srdreg.scid  }
0x8b: {  	s0 =	sand.u32 $0x1, s1  }
0x8c: {  	s16 =	sshll.u32 s0, $0xA;
	s2 =	sadd.s32 s3, s2  }
0x8d: {  	s2 =	sadd.s32 s2, s16  }
0x8e: {  	[smem:$0x3FC6] =	sst s2  }
0x8f: {  	_ = 	snop  }
0x90: {  	(tm) =	ssettm $0x1  }
0x91: {  	s17 =	sld [smem:$0x3FFB];
	_ =	sdelay $0x3  }
0x92: {  	_ =	strace s17  }
0x93: {  	s2 =	sld [smem:$0x3FFC];
	_ =	sdelay $0x3  }
0x94: {  	_ =	strace s2  }
0x95: {  	s2 =	sld [smem:$0x3FFD];
	_ =	sdelay $0x3  }
0x96: {  	_ =	strace s2  }
0x97: {  	_ =	strace $0x8FFFFFFF  }
0x98: {  	s18 =	sld [smem:$0x3FDB];
	_ =	sdelay $0x1  }
0x99: {  	s19 =	simm.s32 $_scs_section_size  }
0x9a: {  	s4 =	simm.s32 $_size__tile_overlayer_lowered;
	s5 =	simm.s32 $_tile_overlayer_lowered  }
0x9b: {  	s22 =	simm.s32 $0x1BFF;
	s21 =	sshll.u32 s5, $0x1;
	s2 =	sadd.s32 s19, s18  }
0x9c: {  	s6 =	simm.s32 $0x0;
	s20 =	sshll.u32 s4, $0x1;
	s4 =	sadd.s32 s21, s2  }
0x9d: {  	[timem:s6], [sflag:s22] =	dma.local [hbm:s4], s20  }
0x9e: {  	_ =	swait.ge [sflag:s22], s20  }
0x9f: {  	s3 =	ssub.s32 $0x0, s20;
	[sflag:s22] =	ssyncset.done $0x0  }
0xa0: {  	[sflag:s22] =	ssyncadd.s32 s3;
	_ =	sdelay $0x1  }
0xa1: {  	s23 =	simm.s32 $0x1B8B  }
0xa2: {  	_ =	swait.ge [sflag:s23], $0x1  }
0xa3: {  	[sflag:s23] =	ssyncset.done $0x0  }
0xa4: {  	s25 =	simm.s32 $0x1B8E;
	s24 =	sld [smem:$0x3FFE];
	[sflag:s23] =	ssyncadd.s32 $0xFFFFFFFF  }
0xa5: {  	s26 =	simm.s32 $execute0_lowered;
	[smem:$0x3FD2] =	sst s25  }
0xa6: {  	s4 =	sshll.u32 s26, $0x1;
	_ =	strace $0x80000046;
	[dreg:$0x1] =	wrdreg $0xFFFFFFFF  }
0xa7: {  	s28 =	simm.s32 $_size_execute0_lowered;
	s2 =	sadd.s32 s2, s4;
	[dreg:$0x0] =	wrdreg $0x0  }
0xa8: {  	s4 =	sshll.u32 s28, $0x1;
	[dreg:$0x2] =	wrdreg s2  }
0xa9: {  	[dreg:$0x3] =	wrdreg s4  }
0xaa: {  	[dreg:$0x4] =	wrdreg $0xC0  }
0xab: {  	_ =	task [dreg:s6], $0x5FFFF  }
0xac: {  	[dreg:$0x1] =	wrdreg $0xFFFFFFFF  }
0xad: {  	[dreg:$0x0] =	wrdreg $0x60  }
0xae: {  	[dreg:$0x2] =	wrdreg s24  }
0xaf: {  	[dreg:$0x3] =	wrdreg $0x0  }
0xb0: {  	[dreg:$0x4] =	wrdreg $0x9  }
0xb1: {  	_ =	task.clear_ibuf [dreg:s6], $0x5FFFF;
	_ =	strace $0x90000046  }
0xb2: {  	s29 =	simm.s32 $0x9;
	_ =	strace $0x80000048  }
0xb3: {  	_ =	swait.ge [sflag:s29], $0x1  }
0xb4: {  	[sflag:s29] =	ssyncadd.s32 $0xFFFFFFFF  }
0xb5: {  	_ =	strace $0x90000048  }
0xb6: {  	_ =	sfence  }
0xb7: {  	s30 =	sld [smem:$0x0];
	_ =	sdelay $0x2  }
0xb8: {  	s31 =	sshll.u32 s1, $0xD;
	s1 =	sshrl.u32 s1, $0x2  }
0xb9: {  	s3 =	sand.u32 $0x4000, s31;
	s1 =	sadd.s32 s1, s30  }
0xba: {  	s0 =	sor.u32 s3, s0;
	s1 =	sshll.u32 s1, $0x11  }
0xbb: {  	s0 =	sor.u32 s1, s0  }
0xbc: {  	s0 =	sadd.s32 $0x8F2B, s0  }
0xbd: {  	[sflag:s0] =	ssyncadd.remote.s32 $0x1  }
0xbe: {  	_ =	sfence.sel $0xFFFF  }
0xbf: {  	[dreg:$0x0] =	wrdreg $0xFFFFFFFF;
	(pc) =	sbr.abs _section_cstart, $3  }
0xc0: {  	[dreg:$0x1] =	wrdreg $0xFFFFFFFF  }
0xc1: {  	_ =	task.clear_ibuf [dreg:s6], $0x2FFFF;
	_ =	strace $0x9FFFFFFF  }
0xc2: {  	(tm) =	ssettm $0x7FFFFFFF  }
0xc3: {  	_ =	shalt  }
tec
execute0_lowered:
.L_overlay_start_1:
0x0: {  	(tag) =	ssettag $0x1  }
0x1: {  	s7 =	rddreg [dreg:$0x0]  }
0x2: {  	s0 =	srdreg.scid;
	s2 =	rddreg [dreg:$0x1]  }
0x3: {  	s3 =	simm.s32 $0x0;
	s12 =	simm.s32 $0x2A80;
	s13 =	simm.s32 $0x280  }
0x4: {  	s14 =	simm.s32 $0x80;
	s15 =	simm.s32 $0x20;
	s16 =	simm.s32 $0x10  }
0x5: {  	s17 =	simm.s32 $0x0;
	s6 =	sand.u32 $0x1, s0;
	s0 =	stileid.u32  }
0x6: {  	[smem:$0x7FF] =	sst s3;
	s1 =	sshll.u32 s6, $0x4;
	s5 =	smul.u32 $0x500, s0  }
0x7: {  	s9 =	sshll.u32 s6, $0x7;
	s10 =	smul.u32 $0xA00, s0;
	s6 =	ssub.s32 $0x2, s6  }
0x8: {  	s31 =	sshll.u32 s0, $0x6;
	s4 =	sor.u32 s0, s1;
	s1 =	rddreg [dreg:$0x2]  }
0x9: {  	_ =	strace $0x80000047;
	s30 =	sshrl.u32 s6, $0x1;
	s4 =	smul.u32 $0x500, s4  }
0xa: {  	s9 =	sor.u32 s9, s5;
	s5 =	sadd.s32 $0xB400, s7;
	s10 =	sshrl.u32 s10, $0x2  }
0xb: {  	s11 =	ssub.s32 s6, s30;
	s6 =	sor.u32 $0x1C01, s31;
	s9 =	sshrl.u32 s9, $0x3  }
0xc: {  	s10 =	sadd.s32 s10, s2;
	s8 =	sadd.s32 s4, s7;
	s4 =	sadd.s32 $0xB600, s7  }
0xd: {  	s9 =	sadd.s32 s9, s7;
	s10 =	sshrl.u32 s10, $0x3;
	s7 =	sadd.s32 $0x1400, s8  }
0xe: {  	s8 =	sadd.s32 $0xB800, s9;
	s9 =	smax.u32 s11, $0x1;
	s11 =	simm.s32 $0x1  }
.LBB2_1:
0xf: {  	[spmem:s10], [sflag:s6] =	dma.local [hbm:s4], $0x50  }
0x10: {  	_ =	swait.ge [sflag:s11], $0x50  }
0x11: {  	[sflag:s11] =	ssyncset.done $0x0  }
0x12: {  	[sflag:s11] =	ssyncadd.s32 $0xFFFFFFB0  }
0x13: {  	[tilespmem:s12], [sflag:$0x1] =	stream.linear.gather [hbm4b:s5+s3], $0x80, $0x38;
	[tilespmem:$0x2B00] =	vst v63  }
0x14: {  	_ =	swait.ge [sflag:s11], $0x80  }
0x15: {  	[sflag:s11] =	ssyncset.done $0x0  }
0x16: {  	[sflag:s11] =	ssyncadd.s32 $0xFFFFFF80  }
0x17: {  	[tilespmem:s13], [sflag:$0x1] =	stream.linear.gather [hbm4b:s7+s3], $0x2800, $0x38;
	[tilespmem:$0x2B00] =	vst v63  }
0x18: {  	_ =	swait.ge [sflag:s11], $0x2800  }
0x19: {  	[sflag:s11] =	ssyncset.done $0x0  }
0x1a: {  	[sflag:s11] =	ssyncadd.s32 $0xFFFFD800  }
0x1b: {  	s18 =	simm.s32 $0x280;
	[bflag:$0x0] =	sbarrier.arrive $0xFFFF  }
0x1c: {  	[spmem:s2] =	stream.indirect.scatter.add.f32 [tilespmem:s12], [sflag:$0x1], $0x1, s18, s14, $0xb8;
	[tilespmem:$0x2B00] =	vst v63  }
0x1d: {  	s18 =	simm.s32 $0x200;
	_ =	swait.ge [sflag:s11], $0x80  }
.LBB2_2:
0x1e: {  	s19 =	sshra.s32 s18, $0x2;
	[sflag:s11] =	ssyncset.done $0x0;
	p0 =	sne.s32 s18, $0x9E00  }
.Ltmp0:
0x1f: {  	s19 =	sadd.s32 $0x280, s19;
	[sflag:s11] =	ssyncadd.s32 $0xFFFFFF80;
	(pc) =	sbr.rel @p0 .LBB2_2-.Ltmp0, $3  }
0x20: {  	[spmem:s2] =	stream.indirect.scatter.add.f32 [tilespmem:s12], [sflag:$0x1], $0x1, s19, s14, $0xb8;
	[tilespmem:$0x2B00] =	vst v63  }
0x21: {  	s18 =	sadd.s32 $0x200, s18;
	_ =	sdelay $0x1  }
0x22: {  	_ =	swait.ge [sflag:s11], $0x80  }
0x23: {  	[sflag:s11] =	ssyncset.done $0x0;
	s17 =	sadd.s32 $0x1, s17  }
0x24: {  	[sflag:s11] =	ssyncadd.s32 $0xFFFFFF80;
	p0 =	sne.s32 s17, s9  }
.Ltmp1:
0x25: {  	[bflag:$0x0] =	sbarrier.arrive $0xFFFF;
	(pc) =	sbr.rel @p0 .LBB2_1-.Ltmp1, $4  }
0x26: {  	[hbm:s8@s15], [sflag:s6] =	dma.strided [spmem:s10@s16], $0x50, s11, $0x10   }
0x27: {  	_ =	swait.ge [sflag:s11], $0x50  }
0x28: {  	[sflag:s11] =	ssyncset.done $0x0  }
0x29: {  	[sflag:s11] =	ssyncadd.s32 $0xFFFFFFB0  }
0x2a: {  	_ =	sfence.sel $0x180000  }
0x2b: {  	[bflag:$0x0] =	sbarrier.arrive $0xFFFF  }
0x2c: {  	p0 =	sne.s32 s0, $0x0;
	_ =	strace $0x90000047  }
0x2d: {  	s0 =	sadd.s32 @!p0 $0x100000, s1;
	[bflag:$0x2] =	sbarrier.arrive $0xFFFF  }
0x2e: {  	[sflag:s0] =	ssyncadd.tile.s32 @!p0 $0x1;
	_ =	shalt  }
.Lfunc_end2:
_tile_overlayer_lowered:
.L_overlay_start_2:
0x2f: {  	(tag) =	ssettag $0x2  }
0x30: {  	s0 =	rddreg [dreg:$0x0];
	s2 =	stileid.u32  }
0x31: {  	s1 =	rddreg [dreg:$0x1];
	p0 =	sne.s32 s2, $0x0  }
0x32: {  	s3 =	rddreg [dreg:$0x2];
	[bflag:$0x3] =	sbarrier.arrive $0xFFFF;
	s2 =	simm.s32 @!p0 $0x1C01  }
0x33: {  	[timem:s3], [sflag:s2] =	dma.local @!p0 [hbm:s0], s1  }
0x34: {  	s0 =	simm.s32 @!p0 $0x1  }
0x35: {  	_ =	swait.ge @!p0 [sflag:s0], s1  }
0x36: {  	s1 =	ssub.s32 @!p0 $0x0, s1;
	[sflag:s0] =	ssyncset.done @!p0 $0x0  }
0x37: {  	[sflag:s0] =	ssyncadd.s32 @!p0 s1  }
0x38: {  	[bflag:$0x3] =	sbarrier.arrive $0xFFFF  }
0x39: {  	_ =	shalt  }

// kernel: kernel.9.cloned.1.call-start
scs
__scs_entry_jumppad:
0x0: {  	(pc) =	sbr.rel $0x88, $3  }
0x1: {  	(tag) =	ssettag $0x0;
	lr =	simm.s32 $0x1  }
0x2: {  	[smem:$0x3F9F] =	sst lr;
	_ =	strace $0xD0000000  }
0x3: {  	_ = 	snop  }
0x4: {  	_ = 	snop  }
0x5: {  	_ = 	snop  }
0x6: {  	_ = 	snop  }
0x7: {  	_ = 	snop  }
__scs_overlays_trampoline_lowered:
0x8: {  	[smem:$0x3FAE] =	sst s0  }
0x9: {  	[smem:$0x3FAF] =	sst s1  }
0xa: {  	[smem:$0x3FB0] =	sst s2  }
0xb: {  	[smem:$0x3FB1] =	sst s3  }
0xc: {  	[smem:$0x3FB2] =	sst s4  }
0xd: {  	[smem:$0x3FB3] =	sst s5  }
0xe: {  	[smem:$0x3FB4] =	sst s6  }
0xf: {  	[smem:$0x3FB5] =	sst s7  }
0x10: {  	[smem:$0x3FB6] =	sst s8  }
0x11: {  	[smem:$0x3FB7] =	sst s9;
	s0 =	simm.s32 @!p0 $0x0  }
0x12: {  	s1 =	sld [smem:$0x3F9D];
	s0 =	simm.s32 @p0 $0x1  }
0x13: {  	[smem:$0x3FB8] =	sst s0;
	s0 =	simm.s32 @!p1 $0x0  }
0x14: {  	s2 =	sld [smem:$0x3F9C];
	s0 =	simm.s32 @p1 $0x1  }
0x15: {  	[smem:$0x3FB9] =	sst s0;
	s0 =	simm.s32 @!p2 $0x0  }
0x16: {  	s3 =	sld [smem:$0x3FDB];
	s0 =	simm.s32 @p2 $0x1  }
0x17: {  	s4 =	simm.s32 $0x1BF5;
	[smem:$0x3FBB] =	sst s0  }
0x18: {  	s0 =	sld [smem:$0x3F9E];
	_ =	swait.ge [sflag:s4], $0x0  }
0x19: {  	s7 =	sld [smem:$0x3F9F]  }
0x1a: {  	s8 =	sadd.s32 $0xFFFFE003, lr  }
0x1b: {  	s9 =	sadd.s32 $0xFFFFFEF7, lr;
	s5 =	simm.s32 $0xFFFFFFFF;
	p2 =	slt.u32 s8, $0xFFFFF086  }
0x1c: {  	p1 =	slt.u32 s9, $0xF7A;
	s5 =	simm.s32 @!p2 $0x0  }
0x1d: {  	s5 =	simm.s32 @p1 $0x1;
	p0 =	seq.s32 s7, s2  }
0x1e: {  	s7 =	smul.u32 @!p0 $0xF7A, s2;
	p2 =	seq.s32 @!p0 s5, $0x0  }
0x1f: {  	s9 =	smul.u32 $0xF7A, s1;
	s8 =	simm.s32 @!p0 $0x1BF5;
	p2 =	por !p2, p0  }
0x20: {  	[sflag:s8] =	ssyncset.s32 @!p0 $0xFFFFF086;
	s6 =	sadd.s32 @!p0 s3, s7;
	s7 =	simm.s32 @!p0 $0x108  }
0x21: {  	s3 =	sadd.s32 s3, s9;
	s6 =	sadd.s32 @!p0 $0x88, s6;
	s7 =	simm.s32 @p2 $0x1082  }
0x22: {  	[simem:s7], [sflag:s8] =	dma.local @!p0 [hbm:s6], $0xF7A  }
0x23: {  	s9 =	sor.u32 $0xD0000000, s2;
	s6 =	simm.s32 $0x108;
	_ =	swait.ge @!p0 [sflag:s8], $0x0  }
0x24: {  	s3 =	sadd.s32 $0x88, s3;
	s6 =	simm.s32 @!p1 $0x1082;
	[sflag:s4] =	ssyncset.s32 $0xFFFFF086  }
0x25: {  	[simem:s6], [sflag:s4] =	dma.local [hbm:s3], $0xF7A  }
0x26: {  	[smem:$0x3F9F] =	sst s1;
	(tag) =	ssettag s2;
	_ =	strace s9  }
0x27: {  	s1 =	sld [smem:$0x3FAF]  }
0x28: {  	s2 =	sld [smem:$0x3FB0]  }
0x29: {  	s4 =	sld [smem:$0x3FB2]  }
0x2a: {  	p0 =	seq.s32 s5, $0x0;
	s5 =	sld [smem:$0x3FB3]  }
0x2b: {  	s6 =	sld [smem:$0x3FB4]  }
0x2c: {  	s7 =	sld [smem:$0x3FB5]  }
0x2d: {  	s3 =	simm.s32 $0x108;
	s8 =	sld [smem:$0x3FB6]  }
0x2e: {  	s3 =	simm.s32 @!p0 $0x1082;
	s9 =	sld [smem:$0x3FB7]  }
0x2f: {  	lr =	sadd.s32 s0, s3;
	s0 =	sld [smem:$0x3FAE]  }
0x30: {  	s3 =	sld [smem:$0x3FB1]  }
0x31: {  	[smem:$0x3FBA] =	sst s10  }
0x32: {  	s10 =	sld [smem:$0x3FB8];
	_ =	sdelay $0x3  }
0x33: {  	p0 =	seq.s32 s10, $0x1;
	s10 =	sld [smem:$0x3FBA];
	_ =	sdelay $0x3  }
0x34: {  	[smem:$0x3FBA] =	sst s10  }
0x35: {  	s10 =	sld [smem:$0x3FB9];
	_ =	sdelay $0x3  }
0x36: {  	p1 =	seq.s32 s10, $0x1;
	s10 =	sld [smem:$0x3FBA];
	_ =	sdelay $0x3  }
0x37: {  	[smem:$0x3FBA] =	sst s10  }
0x38: {  	s10 =	sld [smem:$0x3FBB]  }
0x39: {  	_ = 	snop;
	(pc) =	sbr.ind lr, $3  }
0x3a: {  	_ = 	snop  }
0x3b: {  	_ = 	snop  }
0x3c: {  	p2 =	seq.s32 s10, $0x1;
	s10 =	sld [smem:$0x3FBA]  }
0x3d: {  	_ =	shalt  }
0x3e: {  	_ =	shalt  }
0x3f: {  	_ =	shalt  }
0x40: {  	_ =	shalt  }
0x41: {  	_ =	shalt  }
0x42: {  	_ =	shalt  }
0x43: {  	_ =	shalt  }
0x44: {  	_ =	shalt  }
0x45: {  	_ =	shalt  }
0x46: {  	_ =	shalt  }
0x47: {  	_ =	shalt  }
0x48: {  	_ =	shalt  }
0x49: {  	_ =	shalt  }
0x4a: {  	_ =	shalt  }
0x4b: {  	_ =	shalt  }
0x4c: {  	_ =	shalt  }
0x4d: {  	_ =	shalt  }
0x4e: {  	_ =	shalt  }
0x4f: {  	_ =	shalt  }
0x50: {  	_ =	shalt  }
0x51: {  	_ =	shalt  }
0x52: {  	_ =	shalt  }
0x53: {  	_ =	shalt  }
0x54: {  	_ =	shalt  }
0x55: {  	_ =	shalt  }
0x56: {  	_ =	shalt  }
0x57: {  	_ =	shalt  }
0x58: {  	_ =	shalt  }
0x59: {  	_ =	shalt  }
0x5a: {  	_ =	shalt  }
0x5b: {  	_ =	shalt  }
0x5c: {  	_ =	shalt  }
0x5d: {  	_ =	shalt  }
0x5e: {  	_ =	shalt  }
0x5f: {  	_ =	shalt  }
0x60: {  	_ =	shalt  }
0x61: {  	_ =	shalt  }
0x62: {  	_ =	shalt  }
0x63: {  	_ =	shalt  }
0x64: {  	_ =	shalt  }
0x65: {  	_ =	shalt  }
0x66: {  	_ =	shalt  }
0x67: {  	_ =	shalt  }
0x68: {  	_ =	shalt  }
0x69: {  	_ =	shalt  }
0x6a: {  	_ =	shalt  }
0x6b: {  	_ =	shalt  }
0x6c: {  	_ =	shalt  }
0x6d: {  	_ =	shalt  }
0x6e: {  	_ =	shalt  }
0x6f: {  	_ =	shalt  }
0x70: {  	_ =	shalt  }
0x71: {  	_ =	shalt  }
0x72: {  	_ =	shalt  }
0x73: {  	_ =	shalt  }
0x74: {  	_ =	shalt  }
0x75: {  	_ =	shalt  }
0x76: {  	_ =	shalt  }
0x77: {  	_ =	shalt  }
0x78: {  	_ =	shalt  }
0x79: {  	_ =	shalt  }
0x7a: {  	_ =	shalt  }
0x7b: {  	_ =	shalt  }
0x7c: {  	_ =	shalt  }
0x7d: {  	_ =	shalt  }
0x7e: {  	_ =	shalt  }
0x7f: {  	_ =	shalt  }
0x80: {  	_ =	shalt  }
0x81: {  	_ =	shalt  }
0x82: {  	_ =	shalt  }
0x83: {  	_ =	shalt  }
0x84: {  	_ =	shalt  }
0x85: {  	_ =	shalt  }
0x86: {  	_ =	shalt  }
0x87: {  	_ =	shalt  }
.Lfunc_end0:
.L_simem_size_0:
called_computation.1_lowered:
.L_overlay_start_0:
0x88: {  	s2 =	sld [smem:$0x3FD9]  }
0x89: {  	s3 =	sld [smem:$0x3FFE];
	_ =	sdelay $0x1  }
0x8a: {  	s1 =	srdreg.scid  }
0x8b: {  	s0 =	sand.u32 $0x1, s1  }
0x8c: {  	s17 =	sshll.u32 s0, $0xA;
	s2 =	sadd.s32 s3, s2  }
0x8d: {  	s2 =	sadd.s32 s2, s17  }
0x8e: {  	[smem:$0x3FC6] =	sst s2  }
0x8f: {  	_ = 	snop  }
0x90: {  	s2 =	sld [smem:$0x3FD0];
	(tm) =	ssettm $0x1  }
0x91: {  	s18 =	sld [smem:$0x3FFB];
	_ =	sdelay $0x3  }
0x92: {  	_ =	strace s18  }
0x93: {  	s3 =	sld [smem:$0x3FFC];
	_ =	sdelay $0x3  }
0x94: {  	_ =	strace s3  }
0x95: {  	s3 =	sld [smem:$0x3FFD];
	_ =	sdelay $0x3  }
0x96: {  	_ =	strace s3  }
0x97: {  	_ =	strace $0x8FFFFFFF  }
0x98: {  	s19 =	sld [smem:$0x3FDB];
	_ =	sdelay $0x1  }
0x99: {  	s4 =	simm.s32 $_scs_section_size  }
0x9a: {  	s5 =	simm.s32 $_size__tile_overlayer_lowered;
	s6 =	simm.s32 $_tile_overlayer_lowered  }
0x9b: {  	s22 =	simm.s32 $0x1BFF;
	s21 =	sshll.u32 s6, $0x1;
	s3 =	sadd.s32 s4, s19  }
0x9c: {  	s7 =	simm.s32 $0x0;
	s20 =	sshll.u32 s5, $0x1;
	s5 =	sadd.s32 s21, s3  }
0x9d: {  	[timem:s7], [sflag:s22] =	dma.local [hbm:s5], s20  }
0x9e: {  	_ =	swait.ge [sflag:s22], s20  }
0x9f: {  	s4 =	ssub.s32 $0x0, s20;
	[sflag:s22] =	ssyncset.done $0x0  }
0xa0: {  	[sflag:s22] =	ssyncadd.s32 s4;
	_ =	sdelay $0x1  }
0xa1: {  	s23 =	simm.s32 $0x1B8B  }
0xa2: {  	_ =	swait.ge [sflag:s23], $0x1  }
0xa3: {  	[sflag:s23] =	ssyncset.done $0x0  }
0xa4: {  	s25 =	simm.s32 $0x1B8E;
	s24 =	sld [smem:$0x3FFE];
	[sflag:s23] =	ssyncadd.s32 $0xFFFFFFFF  }
0xa5: {  	s26 =	simm.s32 $execute0_lowered;
	[smem:$0x3FD2] =	sst s25  }
0xa6: {  	s5 =	sshll.u32 s26, $0x1;
	_ =	strace $0x80000049;
	[dreg:$0x1] =	wrdreg $0xFFFFFFFF  }
0xa7: {  	s28 =	simm.s32 $_size_execute0_lowered;
	s3 =	sadd.s32 s3, s5;
	[dreg:$0x0] =	wrdreg $0x0  }
0xa8: {  	s5 =	sshll.u32 s28, $0x1;
	[dreg:$0x2] =	wrdreg s3  }
0xa9: {  	[dreg:$0x3] =	wrdreg s5  }
0xaa: {  	[dreg:$0x4] =	wrdreg $0xC0  }
0xab: {  	_ =	task [dreg:s7], $0x5FFFF  }
0xac: {  	[dreg:$0x1] =	wrdreg $0xFFFFFFFF  }
0xad: {  	[dreg:$0x0] =	wrdreg $0x60  }
0xae: {  	[dreg:$0x2] =	wrdreg s24  }
0xaf: {  	[dreg:$0x3] =	wrdreg s2  }
0xb0: {  	[dreg:$0x4] =	wrdreg $0x0  }
0xb1: {  	[dreg:$0x5] =	wrdreg $0x9  }
0xb2: {  	_ =	task.clear_ibuf [dreg:s7], $0x6FFFF;
	_ =	strace $0x90000049  }
0xb3: {  	s29 =	simm.s32 $0x9;
	_ =	strace $0x8000004B  }
0xb4: {  	_ =	swait.ge [sflag:s29], $0x1  }
0xb5: {  	[sflag:s29] =	ssyncadd.s32 $0xFFFFFFFF  }
0xb6: {  	_ =	strace $0x9000004B  }
0xb7: {  	_ =	sfence  }
0xb8: {  	s30 =	sld [smem:$0x0];
	_ =	sdelay $0x2  }
0xb9: {  	s31 =	sshll.u32 s1, $0xD;
	s1 =	sshrl.u32 s1, $0x2  }
0xba: {  	s3 =	sand.u32 $0x4000, s31;
	s1 =	sadd.s32 s1, s30  }
0xbb: {  	s0 =	sor.u32 s3, s0;
	s1 =	sshll.u32 s1, $0x11  }
0xbc: {  	s0 =	sor.u32 s1, s0  }
0xbd: {  	s0 =	sadd.s32 $0x8F2B, s0  }
0xbe: {  	[sflag:s0] =	ssyncadd.remote.s32 $0x1  }
0xbf: {  	_ =	sfence.sel $0xFFFF  }
0xc0: {  	[dreg:$0x0] =	wrdreg $0xFFFFFFFF;
	(pc) =	sbr.abs _section_cstart, $3  }
0xc1: {  	[dreg:$0x1] =	wrdreg $0xFFFFFFFF  }
0xc2: {  	_ =	task.clear_ibuf [dreg:s7], $0x2FFFF;
	_ =	strace $0x9FFFFFFF  }
0xc3: {  	(tm) =	ssettm $0x7FFFFFFF  }
tec
execute0_lowered:
.L_overlay_start_1:
0x0: {  	(tag) =	ssettag $0x1  }
0x1: {  	s0 =	rddreg [dreg:$0x0]  }
0x2: {  	s3 =	rddreg [dreg:$0x1]  }
0x3: {  	s1 =	rddreg [dreg:$0x2];
	s4 =	simm.s32 $0x0;
	s2 =	srdreg.scid  }
0x4: {  	s19 =	simm.s32 $0x16880;
	s28 =	simm.s32 $0x1;
	s29 =	simm.s32 $0x1E900  }
0x5: {  	s30 =	simm.s32 $0x2;
	s31 =	simm.s32 $0x1EA00;
	[smem:$0x7FF] =	sst s4  }
0x6: {  	s6 =	sand.u32 $0x1, s2;
	s2 =	stileid.u32;
	s4 =	sadd.s32 $0x1400, s0  }
0x7: {  	s5 =	sadd.s32 $0x29400, s0;
	s7 =	smul.u32 $0x140000, s6;
	s20 =	sshll.u32 s6, $0x4  }
0x8: {  	_ =	strace $0x8000004A;
	s8 =	smul.u32 $0x14000, s2;
	s22 =	sshll.u32 s2, $0x7  }
0x9: {  	s10 =	smul.u32 $0x50000, s2;
	s6 =	ssub.s32 $0x2, s6;
	s9 =	sor.u32 s2, s20  }
0xa: {  	s24 =	sshrl.u32 s6, $0x1;
	s20 =	simm.s32 $0x3;
	s9 =	sshrl.u32 s9, $0x3  }
0xb: {  	s7 =	sadd.s32 s8, s7;
	s25 =	sshrl.u32 s10, $0x2;
	s26 =	ssub.s32 s6, s24  }
0xc: {  	s24 =	simm.s32 $0x1E880;
	s21 =	smul.u32 $0x14400, s9;
	s7 =	sshrl.u32 s7, $0x3  }
0xd: {  	s9 =	sand.u32 $0x380, s22;
	s6 =	sadd.s32 s25, s1;
	s25 =	simm.s32 $0x1E980  }
0xe: {  	s0 =	sadd.s32 s7, s0;
	s10 =	sadd.s32 $0x2000, s6;
	s11 =	sadd.s32 $0x4000, s6  }
0xf: {  	s12 =	sadd.s32 $0x6000, s6;
	s13 =	sadd.s32 $0x8000, s6;
	s14 =	sadd.s32 $0xA000, s6  }
0x10: {  	s15 =	sadd.s32 $0xC000, s6;
	s16 =	sadd.s32 $0xE000, s6;
	s17 =	sadd.s32 $0x10000, s6  }
0x11: {  	s18 =	sadd.s32 $0x12000, s6;
	s23 =	sor.u32 s9, s21;
	s8 =	sadd.s32 $0x29800, s0  }
0x12: {  	s9 =	smax.u32 s26, $0x1;
	s21 =	simm.s32 $0x80;
	s7 =	sshrl.u32 s23, $0x3  }
0x13: {  	s26 =	simm.s32 $0x1A880;
	s0 =	simm.s32 $0x0;
	s7 =	sadd.s32 s3, s7  }
.LBB2_1:
0x14: {  	s3 =	simm.s32 $0x0  }
0x15: {  	[tilespmem:s19], [sflag:$0x3] =	stream.linear.gather [hbm4b:s5+s3], $0x2000, $0x38;
	[tilespmem:$0x1EA80] =	vst v63  }
0x16: {  	_ =	swait.ge [sflag:s20], $0x2000  }
0x17: {  	[sflag:s20] =	ssyncset.done $0x0  }
0x18: {  	[sflag:s20] =	ssyncadd.s32 $0xFFFFE000  }
0x19: {  	[spmem:s6] =	stream.linear.scatter [tilespmem:s19], [sflag:$0x3], $0x2000, $0x38;
	[tilespmem:$0x1EA80] =	vst v63  }
0x1a: {  	_ =	swait.ge [sflag:s20], $0x2000  }
0x1b: {  	[sflag:s20] =	ssyncset.done $0x0  }
0x1c: {  	[sflag:s20] =	ssyncadd.s32 $0xFFFFE000  }
0x1d: {  	[spmem:s10] =	stream.linear.scatter [tilespmem:s19], [sflag:$0x3], $0x2000, $0x38;
	[tilespmem:$0x1EA80] =	vst v63  }
0x1e: {  	_ =	swait.ge [sflag:s20], $0x2000  }
0x1f: {  	[sflag:s20] =	ssyncset.done $0x0  }
0x20: {  	[sflag:s20] =	ssyncadd.s32 $0xFFFFE000  }
0x21: {  	[spmem:s11] =	stream.linear.scatter [tilespmem:s19], [sflag:$0x3], $0x2000, $0x38;
	[tilespmem:$0x1EA80] =	vst v63  }
0x22: {  	_ =	swait.ge [sflag:s20], $0x2000  }
0x23: {  	[sflag:s20] =	ssyncset.done $0x0  }
0x24: {  	[sflag:s20] =	ssyncadd.s32 $0xFFFFE000  }
0x25: {  	[spmem:s12] =	stream.linear.scatter [tilespmem:s19], [sflag:$0x3], $0x2000, $0x38;
	[tilespmem:$0x1EA80] =	vst v63  }
0x26: {  	_ =	swait.ge [sflag:s20], $0x2000  }
0x27: {  	[sflag:s20] =	ssyncset.done $0x0  }
0x28: {  	[sflag:s20] =	ssyncadd.s32 $0xFFFFE000  }
0x29: {  	[spmem:s13] =	stream.linear.scatter [tilespmem:s19], [sflag:$0x3], $0x2000, $0x38;
	[tilespmem:$0x1EA80] =	vst v63  }
0x2a: {  	_ =	swait.ge [sflag:s20], $0x2000  }
0x2b: {  	[sflag:s20] =	ssyncset.done $0x0  }
0x2c: {  	[sflag:s20] =	ssyncadd.s32 $0xFFFFE000  }
0x2d: {  	[spmem:s14] =	stream.linear.scatter [tilespmem:s19], [sflag:$0x3], $0x2000, $0x38;
	[tilespmem:$0x1EA80] =	vst v63  }
0x2e: {  	_ =	swait.ge [sflag:s20], $0x2000  }
0x2f: {  	[sflag:s20] =	ssyncset.done $0x0  }
0x30: {  	[sflag:s20] =	ssyncadd.s32 $0xFFFFE000  }
0x31: {  	[spmem:s15] =	stream.linear.scatter [tilespmem:s19], [sflag:$0x3], $0x2000, $0x38;
	[tilespmem:$0x1EA80] =	vst v63  }
0x32: {  	_ =	swait.ge [sflag:s20], $0x2000  }
0x33: {  	[sflag:s20] =	ssyncset.done $0x0  }
0x34: {  	[sflag:s20] =	ssyncadd.s32 $0xFFFFE000  }
0x35: {  	[spmem:s16] =	stream.linear.scatter [tilespmem:s19], [sflag:$0x3], $0x2000, $0x38;
	[tilespmem:$0x1EA80] =	vst v63  }
0x36: {  	_ =	swait.ge [sflag:s20], $0x2000  }
0x37: {  	[sflag:s20] =	ssyncset.done $0x0  }
0x38: {  	[sflag:s20] =	ssyncadd.s32 $0xFFFFE000  }
0x39: {  	[spmem:s17] =	stream.linear.scatter [tilespmem:s19], [sflag:$0x3], $0x2000, $0x38;
	[tilespmem:$0x1EA80] =	vst v63  }
0x3a: {  	_ =	swait.ge [sflag:s20], $0x2000  }
0x3b: {  	[sflag:s20] =	ssyncset.done $0x0  }
0x3c: {  	[sflag:s20] =	ssyncadd.s32 $0xFFFFE000  }
0x3d: {  	[spmem:s18] =	stream.linear.scatter [tilespmem:s19], [sflag:$0x3], $0x2000, $0x38;
	[tilespmem:$0x1EA80] =	vst v63  }
0x3e: {  	_ =	swait.ge [sflag:s20], $0x2000  }
0x3f: {  	[sflag:s20] =	ssyncset.done $0x0  }
0x40: {  	s23 =	simm.s32 $0x400;
	s22 =	simm.s32 $0x14000;
	[sflag:s20] =	ssyncadd.s32 $0xFFFFE000  }
0x41: {  	[tilespmem:s22], [sflag:$0x3] =	stream.strided.gather [hbm4b:s7+s21], $0x2880, s23, s21, $0x38;
	[tilespmem:$0x1EA80] =	vst v63  }
0x42: {  	_ =	swait.ge [sflag:s20], $0x2880  }
0x43: {  	[sflag:s20] =	ssyncset.done $0x0  }
0x44: {  	[sflag:s20] =	ssyncadd.s32 $0xFFFFD780  }
0x45: {  	[bflag:$0x0] =	sbarrier.arrive $0xFFFF  }
0x46: {  	v0 =	vld [tilespmem:$0x14000];
	_ =	sdelay $0x1  }
0x47: {  	v1 =	vld [tilespmem:$0x14010];
	_ =	sdelay $0x1  }
0x48: {  	v2 =	vld [tilespmem:$0x14020]  }
0x49: {  	v3 =	vand.u32 $0xFFFF, v0  }
0x4a: {  	v0 =	vshrl.u32 v0, $0x10;
	[tilespmem:$0x1E880] =	vst v3;
	v3 =	vld [tilespmem:$0x14030]  }
0x4b: {  	[tilespmem:$0x1E900] =	vst v0;
	v0 =	vand.u32 $0xFFFF, v1  }
0x4c: {  	[tilespmem:$0x1E890] =	vst v0;
	v0 =	vshrl.u32 v1, $0x10;
	v1 =	vld [tilespmem:$0x14040]  }
0x4d: {  	[tilespmem:$0x1E910] =	vst v0;
	v0 =	vand.u32 $0xFFFF, v2  }
0x4e: {  	[tilespmem:$0x1E8A0] =	vst v0;
	v0 =	vshrl.u32 v2, $0x10;
	v2 =	vld [tilespmem:$0x14050]  }
0x4f: {  	[tilespmem:$0x1E920] =	vst v0;
	v0 =	vand.u32 $0xFFFF, v3  }
0x50: {  	[tilespmem:$0x1E8B0] =	vst v0;
	v0 =	vshrl.u32 v3, $0x10;
	v3 =	vld [tilespmem:$0x14060]  }
0x51: {  	[tilespmem:$0x1E930] =	vst v0;
	v0 =	vand.u32 $0xFFFF, v1  }
0x52: {  	[tilespmem:$0x1E8C0] =	vst v0;
	v0 =	vshrl.u32 v1, $0x10;
	v1 =	vld [tilespmem:$0x14070]  }
0x53: {  	[tilespmem:$0x1E940] =	vst v0;
	v0 =	vand.u32 $0xFFFF, v2  }
0x54: {  	[tilespmem:$0x1E8D0] =	vst v0;
	v0 =	vshrl.u32 v2, $0x10  }
0x55: {  	[tilespmem:$0x1E950] =	vst v0;
	v0 =	vand.u32 $0xFFFF, v3  }
0x56: {  	[tilespmem:$0x1E8E0] =	vst v0;
	v0 =	vshrl.u32 v3, $0x10  }
0x57: {  	[tilespmem:$0x1E960] =	vst v0;
	v0 =	vand.u32 $0xFFFF, v1  }
0x58: {  	[tilespmem:$0x1E8F0] =	vst v0;
	v0 =	vshrl.u32 v1, $0x10  }
0x59: {  	s3 =	simm.s32 $0x0;
	[tilespmem:$0x1E970] =	vst v0  }
0x5a: {  	[tilespmem:s19], [sflag:$0x1] =	stream.indirect.gather [hbm4b:s4+s21], $0x80, s24, s21, $0xb8;
	[tilespmem:$0x1EA80] =	vst v63  }
0x5b: {  	v0 =	vld [tilespmem:s3+$0x14080];
	_ =	sdelay $0x4  }
0x5c: {  	v1 =	vand.u32 $0xFFFF, v0  }
0x5d: {  	v0 =	vshrl.u32 v0, $0x10;
	[tilespmem:$0x1E980] =	vst v1  }
0x5e: {  	[tilespmem:$0x1EA00] =	vst v0  }
0x5f: {  	v0 =	vld [tilespmem:s3+$0x14090];
	_ =	sdelay $0x4  }
0x60: {  	v1 =	vand.u32 $0xFFFF, v0  }
0x61: {  	v0 =	vshrl.u32 v0, $0x10;
	[tilespmem:$0x1E990] =	vst v1  }
0x62: {  	[tilespmem:$0x1EA10] =	vst v0  }
0x63: {  	v0 =	vld [tilespmem:s3+$0x140A0];
	_ =	sdelay $0x4  }
0x64: {  	v1 =	vand.u32 $0xFFFF, v0  }
0x65: {  	v0 =	vshrl.u32 v0, $0x10;
	[tilespmem:$0x1E9A0] =	vst v1  }
0x66: {  	[tilespmem:$0x1EA20] =	vst v0  }
0x67: {  	v0 =	vld [tilespmem:s3+$0x140B0];
	_ =	sdelay $0x4  }
0x68: {  	v1 =	vand.u32 $0xFFFF, v0  }
0x69: {  	v0 =	vshrl.u32 v0, $0x10;
	[tilespmem:$0x1E9B0] =	vst v1  }
0x6a: {  	[tilespmem:$0x1EA30] =	vst v0  }
0x6b: {  	v0 =	vld [tilespmem:s3+$0x140C0];
	_ =	sdelay $0x4  }
0x6c: {  	v1 =	vand.u32 $0xFFFF, v0  }
0x6d: {  	v0 =	vshrl.u32 v0, $0x10;
	[tilespmem:$0x1E9C0] =	vst v1  }
0x6e: {  	[tilespmem:$0x1EA40] =	vst v0  }
0x6f: {  	v0 =	vld [tilespmem:s3+$0x140D0];
	_ =	sdelay $0x4  }
0x70: {  	v1 =	vand.u32 $0xFFFF, v0  }
0x71: {  	v0 =	vshrl.u32 v0, $0x10;
	[tilespmem:$0x1E9D0] =	vst v1  }
0x72: {  	[tilespmem:$0x1EA50] =	vst v0  }
0x73: {  	v0 =	vld [tilespmem:s3+$0x140E0];
	_ =	sdelay $0x4  }
0x74: {  	v1 =	vand.u32 $0xFFFF, v0  }
0x75: {  	v0 =	vshrl.u32 v0, $0x10;
	[tilespmem:$0x1E9E0] =	vst v1  }
0x76: {  	[tilespmem:$0x1EA60] =	vst v0  }
0x77: {  	v0 =	vld [tilespmem:s3+$0x140F0];
	_ =	sdelay $0x4  }
0x78: {  	v1 =	vand.u32 $0xFFFF, v0  }
0x79: {  	v0 =	vshrl.u32 v0, $0x10;
	[tilespmem:$0x1E9F0] =	vst v1  }
0x7a: {  	[tilespmem:$0x1EA70] =	vst v0  }
0x7b: {  	[tilespmem:s26], [sflag:$0x2] =	stream.indirect.gather [hbm4b:s4+s21], $0x80, s25, s21, $0xb8;
	[tilespmem:$0x1EA80] =	vst v63  }
0x7c: {  	_ =	swait.ge [sflag:s28], $0x4000  }
0x7d: {  	[sflag:s28] =	ssyncset.done $0x0  }
0x7e: {  	[sflag:s28] =	ssyncadd.s32 $0xFFFFC000  }
0x7f: {  	[spmem:s1] =	stream.indirect.scatter.add.f32 [tilespmem:s19], [sflag:$0x3], $0x80, s29, s21, $0xb8;
	[tilespmem:$0x1EA80] =	vst v63  }
0x80: {  	_ =	swait.ge [sflag:s20], $0x4000  }
0x81: {  	[sflag:s20] =	ssyncset.done $0x0  }
0x82: {  	[sflag:s20] =	ssyncadd.s32 $0xFFFFC000  }
0x83: {  	v0 =	vld [tilespmem:s3+$0x14100];
	_ =	sdelay $0x4  }
0x84: {  	v1 =	vand.u32 $0xFFFF, v0  }
0x85: {  	v0 =	vshrl.u32 v0, $0x10;
	[tilespmem:$0x1E880] =	vst v1  }
0x86: {  	[tilespmem:$0x1E900] =	vst v0  }
0x87: {  	v0 =	vld [tilespmem:s3+$0x14110];
	_ =	sdelay $0x4  }
0x88: {  	v1 =	vand.u32 $0xFFFF, v0  }
0x89: {  	v0 =	vshrl.u32 v0, $0x10;
	[tilespmem:$0x1E890] =	vst v1  }
0x8a: {  	[tilespmem:$0x1E910] =	vst v0  }
0x8b: {  	v0 =	vld [tilespmem:s3+$0x14120];
	_ =	sdelay $0x4  }
0x8c: {  	v1 =	vand.u32 $0xFFFF, v0  }
0x8d: {  	v0 =	vshrl.u32 v0, $0x10;
	[tilespmem:$0x1E8A0] =	vst v1  }
0x8e: {  	[tilespmem:$0x1E920] =	vst v0  }
0x8f: {  	v0 =	vld [tilespmem:s3+$0x14130];
	_ =	sdelay $0x4  }
0x90: {  	v1 =	vand.u32 $0xFFFF, v0  }
0x91: {  	v0 =	vshrl.u32 v0, $0x10;
	[tilespmem:$0x1E8B0] =	vst v1  }
0x92: {  	[tilespmem:$0x1E930] =	vst v0  }
0x93: {  	v0 =	vld [tilespmem:s3+$0x14140];
	_ =	sdelay $0x4  }
0x94: {  	v1 =	vand.u32 $0xFFFF, v0  }
0x95: {  	v0 =	vshrl.u32 v0, $0x10;
	[tilespmem:$0x1E8C0] =	vst v1  }
0x96: {  	[tilespmem:$0x1E940] =	vst v0  }
0x97: {  	v0 =	vld [tilespmem:s3+$0x14150];
	_ =	sdelay $0x4  }
0x98: {  	v1 =	vand.u32 $0xFFFF, v0  }
0x99: {  	v0 =	vshrl.u32 v0, $0x10;
	[tilespmem:$0x1E8D0] =	vst v1  }
0x9a: {  	[tilespmem:$0x1E950] =	vst v0  }
0x9b: {  	v0 =	vld [tilespmem:s3+$0x14160];
	_ =	sdelay $0x4  }
0x9c: {  	v1 =	vand.u32 $0xFFFF, v0  }
0x9d: {  	s22 =	simm.s32 $0x400;
	v0 =	vshrl.u32 v0, $0x10;
	[tilespmem:$0x1E8E0] =	vst v1  }
.LBB2_2:
0x9e: {  	p0 =	sne.s32 s22, $0x9C00;
	[tilespmem:$0x1E960] =	vst v0;
	s23 =	smov.u32 s22;
	s22 =	sadd.s32 $0x400, s22  }
0x9f: {  	v0 =	vld [tilespmem:s3+$0x14170];
	_ =	sdelay $0x4  }
0xa0: {  	v1 =	vand.u32 $0xFFFF, v0;
	v0 =	vshrl.u32 v0, $0x10  }
0xa1: {  	[tilespmem:$0x1E8F0] =	vst v1  }
0xa2: {  	[tilespmem:$0x1E970] =	vst v0  }
0xa3: {  	[tilespmem:s19], [sflag:$0x1] =	stream.indirect.gather [hbm4b:s4+s21], $0x80, s24, s21, $0xb8;
	[tilespmem:$0x1EA80] =	vst v63  }
0xa4: {  	_ =	swait.ge [sflag:s30], $0x4000  }
0xa5: {  	[sflag:s30] =	ssyncset.done $0x0  }
0xa6: {  	[sflag:s30] =	ssyncadd.s32 $0xFFFFC000  }
0xa7: {  	[spmem:s1] =	stream.indirect.scatter.add.f32 [tilespmem:s26], [sflag:$0x3], $0x80, s31, s21, $0xb8;
	[tilespmem:$0x1EA80] =	vst v63  }
0xa8: {  	_ =	swait.ge [sflag:s20], $0x4000  }
0xa9: {  	[sflag:s20] =	ssyncset.done $0x0  }
0xaa: {  	s3 =	sshra.s32 s23, $0x2;
	[sflag:s20] =	ssyncadd.s32 $0xFFFFC000  }
0xab: {  	v0 =	vld [tilespmem:s3+$0x14080];
	_ =	sdelay $0x4  }
0xac: {  	v1 =	vand.u32 $0xFFFF, v0;
	v0 =	vshrl.u32 v0, $0x10  }
0xad: {  	[tilespmem:$0x1E980] =	vst v1  }
0xae: {  	[tilespmem:$0x1EA00] =	vst v0  }
0xaf: {  	v0 =	vld [tilespmem:s3+$0x14090];
	_ =	sdelay $0x4  }
0xb0: {  	v1 =	vand.u32 $0xFFFF, v0;
	v0 =	vshrl.u32 v0, $0x10  }
0xb1: {  	[tilespmem:$0x1E990] =	vst v1  }
0xb2: {  	[tilespmem:$0x1EA10] =	vst v0  }
0xb3: {  	v0 =	vld [tilespmem:s3+$0x140A0];
	_ =	sdelay $0x4  }
0xb4: {  	v1 =	vand.u32 $0xFFFF, v0;
	v0 =	vshrl.u32 v0, $0x10  }
0xb5: {  	[tilespmem:$0x1E9A0] =	vst v1  }
0xb6: {  	[tilespmem:$0x1EA20] =	vst v0  }
0xb7: {  	v0 =	vld [tilespmem:s3+$0x140B0];
	_ =	sdelay $0x4  }
0xb8: {  	v1 =	vand.u32 $0xFFFF, v0;
	v0 =	vshrl.u32 v0, $0x10  }
0xb9: {  	[tilespmem:$0x1E9B0] =	vst v1  }
0xba: {  	[tilespmem:$0x1EA30] =	vst v0  }
0xbb: {  	v0 =	vld [tilespmem:s3+$0x140C0];
	_ =	sdelay $0x4  }
0xbc: {  	v1 =	vand.u32 $0xFFFF, v0;
	v0 =	vshrl.u32 v0, $0x10  }
0xbd: {  	[tilespmem:$0x1E9C0] =	vst v1  }
0xbe: {  	[tilespmem:$0x1EA40] =	vst v0  }
0xbf: {  	v0 =	vld [tilespmem:s3+$0x140D0];
	_ =	sdelay $0x4  }
0xc0: {  	v1 =	vand.u32 $0xFFFF, v0;
	v0 =	vshrl.u32 v0, $0x10  }
0xc1: {  	[tilespmem:$0x1E9D0] =	vst v1  }
0xc2: {  	[tilespmem:$0x1EA50] =	vst v0  }
0xc3: {  	v0 =	vld [tilespmem:s3+$0x140E0];
	_ =	sdelay $0x4  }
0xc4: {  	v1 =	vand.u32 $0xFFFF, v0;
	v0 =	vshrl.u32 v0, $0x10  }
0xc5: {  	[tilespmem:$0x1E9E0] =	vst v1  }
0xc6: {  	[tilespmem:$0x1EA60] =	vst v0  }
0xc7: {  	v0 =	vld [tilespmem:s3+$0x140F0];
	_ =	sdelay $0x4  }
0xc8: {  	v1 =	vand.u32 $0xFFFF, v0;
	v0 =	vshrl.u32 v0, $0x10  }
0xc9: {  	[tilespmem:$0x1E9F0] =	vst v1  }
0xca: {  	[tilespmem:$0x1EA70] =	vst v0  }
0xcb: {  	[tilespmem:s26], [sflag:$0x2] =	stream.indirect.gather [hbm4b:s4+s21], $0x80, s25, s21, $0xb8;
	[tilespmem:$0x1EA80] =	vst v63  }
0xcc: {  	_ =	swait.ge [sflag:s28], $0x4000  }
0xcd: {  	[sflag:s28] =	ssyncset.done $0x0  }
0xce: {  	[sflag:s28] =	ssyncadd.s32 $0xFFFFC000  }
0xcf: {  	[spmem:s1] =	stream.indirect.scatter.add.f32 [tilespmem:s19], [sflag:$0x3], $0x80, s29, s21, $0xb8;
	[tilespmem:$0x1EA80] =	vst v63  }
0xd0: {  	_ =	swait.ge [sflag:s20], $0x4000  }
0xd1: {  	[sflag:s20] =	ssyncset.done $0x0  }
0xd2: {  	[sflag:s20] =	ssyncadd.s32 $0xFFFFC000  }
0xd3: {  	v0 =	vld [tilespmem:s3+$0x14100];
	_ =	sdelay $0x4  }
0xd4: {  	v1 =	vand.u32 $0xFFFF, v0;
	v0 =	vshrl.u32 v0, $0x10  }
0xd5: {  	[tilespmem:$0x1E880] =	vst v1  }
0xd6: {  	[tilespmem:$0x1E900] =	vst v0  }
0xd7: {  	v0 =	vld [tilespmem:s3+$0x14110];
	_ =	sdelay $0x4  }
0xd8: {  	v1 =	vand.u32 $0xFFFF, v0;
	v0 =	vshrl.u32 v0, $0x10  }
0xd9: {  	[tilespmem:$0x1E890] =	vst v1  }
0xda: {  	[tilespmem:$0x1E910] =	vst v0  }
0xdb: {  	v0 =	vld [tilespmem:s3+$0x14120];
	_ =	sdelay $0x4  }
0xdc: {  	v1 =	vand.u32 $0xFFFF, v0;
	v0 =	vshrl.u32 v0, $0x10  }
0xdd: {  	[tilespmem:$0x1E8A0] =	vst v1  }
0xde: {  	[tilespmem:$0x1E920] =	vst v0  }
0xdf: {  	v0 =	vld [tilespmem:s3+$0x14130];
	_ =	sdelay $0x4  }
0xe0: {  	v1 =	vand.u32 $0xFFFF, v0;
	v0 =	vshrl.u32 v0, $0x10  }
0xe1: {  	[tilespmem:$0x1E8B0] =	vst v1  }
0xe2: {  	[tilespmem:$0x1E930] =	vst v0  }
0xe3: {  	v0 =	vld [tilespmem:s3+$0x14140];
	_ =	sdelay $0x4  }
0xe4: {  	v1 =	vand.u32 $0xFFFF, v0;
	v0 =	vshrl.u32 v0, $0x10  }
0xe5: {  	[tilespmem:$0x1E8C0] =	vst v1  }
0xe6: {  	[tilespmem:$0x1E940] =	vst v0  }
0xe7: {  	v0 =	vld [tilespmem:s3+$0x14150];
	_ =	sdelay $0x4  }
0xe8: {  	v1 =	vand.u32 $0xFFFF, v0;
	v0 =	vshrl.u32 v0, $0x10  }
0xe9: {  	[tilespmem:$0x1E8D0] =	vst v1  }
0xea: {  	[tilespmem:$0x1E950] =	vst v0  }
0xeb: {  	v0 =	vld [tilespmem:s3+$0x14160];
	_ =	sdelay $0x1  }
.Ltmp0:
0xec: {  	(pc) =	sbr.rel @p0 .LBB2_2-.Ltmp0, $3  }
0xed: {  	_ =	sdelay $0x1  }
0xee: {  	v1 =	vand.u32 $0xFFFF, v0;
	v0 =	vshrl.u32 v0, $0x10  }
0xef: {  	[tilespmem:$0x1E8E0] =	vst v1  }
0xf0: {  	[tilespmem:$0x1E960] =	vst v0  }
0xf1: {  	v0 =	vld [tilespmem:s3+$0x14170];
	_ =	sdelay $0x4  }
0xf2: {  	v1 =	vand.u32 $0xFFFF, v0  }
0xf3: {  	v0 =	vshrl.u32 v0, $0x10;
	[tilespmem:$0x1E8F0] =	vst v1  }
0xf4: {  	[tilespmem:$0x1E970] =	vst v0  }
0xf5: {  	[tilespmem:s19], [sflag:$0x1] =	stream.indirect.gather [hbm4b:s4+s21], $0x80, s24, s21, $0xb8;
	[tilespmem:$0x1EA80] =	vst v63  }
0xf6: {  	_ =	swait.ge [sflag:s30], $0x4000  }
0xf7: {  	[sflag:s30] =	ssyncset.done $0x0  }
0xf8: {  	[sflag:s30] =	ssyncadd.s32 $0xFFFFC000  }
0xf9: {  	[spmem:s1] =	stream.indirect.scatter.add.f32 [tilespmem:s26], [sflag:$0x3], $0x80, s31, s21, $0xb8;
	[tilespmem:$0x1EA80] =	vst v63  }
0xfa: {  	_ =	swait.ge [sflag:s20], $0x4000  }
0xfb: {  	[sflag:s20] =	ssyncset.done $0x0  }
0xfc: {  	[sflag:s20] =	ssyncadd.s32 $0xFFFFC000  }
0xfd: {  	_ =	swait.ge [sflag:s28], $0x4000  }
0xfe: {  	s23 =	sshll.u32 s2, $0x6;
	s0 =	sadd.s32 $0x1, s0;
	[sflag:s28] =	ssyncset.done $0x0  }
0xff: {  	s22 =	sshrl.u32 s6, $0x3;
	p0 =	sne.s32 s0, s9;
	[sflag:s28] =	ssyncadd.s32 $0xFFFFC000  }
.Ltmp1:
0x100: {  	s3 =	sor.u32 $0x1C03, s23;
	[bflag:$0x0] =	sbarrier.arrive $0xFFFF;
	(pc) =	sbr.rel @p0 .LBB2_1-.Ltmp1, $4  }
0x101: {  	[hbm:s8], [sflag:s3] =	dma.local [spmem:s22], $0x2800  }
0x102: {  	_ =	swait.ge [sflag:s20], $0x2800  }
0x103: {  	[sflag:s20] =	ssyncset.done $0x0  }
0x104: {  	[sflag:s20] =	ssyncadd.s32 $0xFFFFD800  }
0x105: {  	_ =	sfence.sel $0x180000  }
0x106: {  	[bflag:$0x0] =	sbarrier.arrive $0xFFFF  }
0x107: {  	_ =	strace $0x9000004A  }
0x108: {  	[bflag:$0x2] =	sbarrier.arrive $0xFFFF  }
0x109: {  	p0 =	sne.s32 s2, $0x0;
	s0 =	rddreg [dreg:$0x3]  }
0x10a: {  	s0 =	sadd.s32 @!p0 $0x100000, s0  }
0x10b: {  	[sflag:s0] =	ssyncadd.tile.s32 @!p0 $0x1;
	_ =	shalt  }
.Lfunc_end2:
_tile_overlayer_lowered:
.L_overlay_start_2:
0x10c: {  	(tag) =	ssettag $0x2  }
0x10d: {  	s0 =	rddreg [dreg:$0x0];
	s2 =	stileid.u32  }
0x10e: {  	s1 =	rddreg [dreg:$0x1];
	p0 =	sne.s32 s2, $0x0  }
0x10f: {  	s3 =	rddreg [dreg:$0x2];
	[bflag:$0x3] =	sbarrier.arrive $0xFFFF;
	s2 =	simm.s32 @!p0 $0x1C03  }
0x110: {  	[timem:s3], [sflag:s2] =	dma.local @!p0 [hbm:s0], s1  }
0x111: {  	s0 =	simm.s32 @!p0 $0x3  }
0x112: {  	_ =	swait.ge @!p0 [sflag:s0], s1  }
0x113: {  	s1 =	ssub.s32 @!p0 $0x0, s1;
	[sflag:s0] =	ssyncset.done @!p0 $0x0  }
0x114: {  	[sflag:s0] =	ssyncadd.s32 @!p0 s1  }
0x115: {  	[bflag:$0x3] =	sbarrier.arrive $0xFFFF  }
0x116: {  	_ =	shalt  }

</sc_bundles>
